<compile_context>
chip_gen: v7x
topology: tpu7x:2x2x1
jax: 0.10.2.dev20260603
libtpu: 0.0.44.dev20260713+nightly
codegen_flags: <defaults>
</compile_context>

<pallas_src>
import dataclasses
import functools

import jax
import jax.numpy as jnp
from jax import lax
from jax.experimental import pallas as pl
from jax.experimental.pallas import tpu as pltpu
from jax.experimental.pallas import tpu_sc as plsc

_NCU = 1
_NS = 16
_C = 80
_NB = 10
_ZR = 128
_NPAD = 10240


def _proj_body(x_ref, w_ref, b_ref, p_ref):
    p_ref[...] = jnp.dot(x_ref[...], w_ref[0], preferred_element_type=jnp.float32,
                         precision=lax.Precision.HIGHEST) + b_ref[0]


def _project(x, wst, bst, block_rows=2000):
    n, d = x.shape
    dout = wst.shape[2]
    nblocks = n // block_rows
    return pl.pallas_call(
        _proj_body,
        grid=(2, nblocks),
        in_specs=[
            pl.BlockSpec((block_rows, d), lambda j, i: (i, 0)),
            pl.BlockSpec((1, d, dout), lambda j, i: (j, 0, 0)),
            pl.BlockSpec((1, 1, dout), lambda j, i: (j, 0, 0)),
        ],
        out_specs=pl.BlockSpec((block_rows, dout),
                               lambda j, i, nb=nblocks: (j * nb + i, 0)),
        out_shape=jax.ShapeDtypeStruct((2 * n, dout), jnp.float32),
    )(x, wst, bst)


def _final_body(x_ref, agg_ref, w1_ref, w2_ref, b_ref, o_ref):
    z = jnp.dot(x_ref[...], w1_ref[...], preferred_element_type=jnp.float32,
                precision=lax.Precision.HIGHEST)
    z += jnp.dot(agg_ref[...], w2_ref[...], preferred_element_type=jnp.float32,
                 precision=lax.Precision.HIGHEST)
    o_ref[...] = jnp.maximum(z + b_ref[...], 0.0)


def _final(x, agg, w1t, w2t, b2d, block_rows=2000):
    n, d = x.shape
    dout = w2t.shape[1]
    return pl.pallas_call(
        _final_body,
        grid=(n // block_rows,),
        in_specs=[
            pl.BlockSpec((block_rows, d), lambda i: (i, 0)),
            pl.BlockSpec((block_rows, dout), lambda i: (i, 0)),
            pl.BlockSpec((d, dout), lambda i: (0, 0)),
            pl.BlockSpec((dout, dout), lambda i: (0, 0)),
            pl.BlockSpec((1, dout), lambda i: (0, 0)),
        ],
        out_specs=pl.BlockSpec((block_rows, dout), lambda i: (i, 0)),
        out_shape=jax.ShapeDtypeStruct((n, dout), jnp.float32),
    )(x, agg, w1t, w2t, b2d)


def _edge_agg(p, gidx, sidx):
    d = p.shape[1]
    nblk = gidx.shape[1]
    rows_tile = _NPAD // _NS
    nz = rows_tile // _ZR

    mesh = plsc.VectorSubcoreMesh(core_axis_name="c", subcore_axis_name="s",
                                  num_cores=_NCU)
    cp = pltpu.CompilerParams()
    if "needs_layout_passes" in pltpu.CompilerParams.__dataclass_fields__:
        cp = dataclasses.replace(cp, needs_layout_passes=False)

    @functools.partial(
        pl.kernel,
        out_type=jax.ShapeDtypeStruct((_NPAD, d), jnp.float32),
        mesh=mesh,
        compiler_params=cp,
        scratch_types=[
            pltpu.VMEM((_NB, _C), jnp.int32),
            pltpu.VMEM((_NB, _C), jnp.int32),
            pltpu.VMEM((_C, d), jnp.float32),
            pltpu.VMEM((_C, d), jnp.float32),
            pltpu.VMEM((_C, d), jnp.float32),
            pltpu.VMEM((_C, d), jnp.float32),
            pltpu.VMEM_SHARED((_NPAD, d), jnp.float32),
            pltpu.SemaphoreType.DMA,
            pltpu.SemaphoreType.DMA,
        ],
    )
    def k(p_hbm, c4_hbm, r4_hbm, out_hbm,
          cidx_ib, ridx_ib, ubuf0, ubuf1, vbuf0, vbuf1, agg_sh, sem_g, sem_s):
        s = lax.axis_index("s")
        ub = (ubuf0, ubuf1)
        vb = (vbuf0, vbuf1)

        @pl.loop(0, _C)
        def _(i):
            for g in range(d // 16):
                ubuf0[i, pl.ds(g * 16, 16)] = jnp.zeros((16,), jnp.float32)

        rbase = s * rows_tile
        for z in range(rows_tile // _C):
            pltpu.sync_copy(ubuf0, agg_sh.at[pl.ds(rbase + z * _C, _C)])
        plsc.subcore_barrier()

        @pl.loop(0, nblk)
        def _(k_):
            pltpu.sync_copy(c4_hbm.at[s, k_], cidx_ib)
            pltpu.sync_copy(r4_hbm.at[s, k_], ridx_ib)

            pltpu.async_copy(p_hbm.at[ridx_ib.at[0]], ubuf0, sem_g)
            pltpu.async_copy(p_hbm.at[cidx_ib.at[0]], vbuf0, sem_g)

            @pl.loop(0, _NB, step=2)
            def _(tt):
                for b in (0, 1):
                    t = tt + b
                    pltpu.make_async_copy(p_hbm.at[ridx_ib.at[t]], ub[b],
                                          sem_g).wait()
                    pltpu.make_async_copy(p_hbm.at[cidx_ib.at[t]], vb[b],
                                          sem_g).wait()

                    def _wait_prev_scatter():
                        pltpu.make_async_copy(
                            vb[1 - b], agg_sh.at[ridx_ib.at[0]], sem_s).wait()
                    if b == 1:
                        _wait_prev_scatter()
                    else:
                        pl.when(tt >= 1)(_wait_prev_scatter)

                    def _issue_next_gathers():
                        pltpu.async_copy(p_hbm.at[ridx_ib.at[t + 1]], ub[1 - b],
                                         sem_g)
                        pltpu.async_copy(p_hbm.at[cidx_ib.at[t + 1]], vb[1 - b],
                                         sem_g)
                    if b == 0:
                        _issue_next_gathers()
                    else:
                        pl.when(tt < _NB - 2)(_issue_next_gathers)

                    @pl.loop(0, _C)
                    def _(r):
                        for g in range(d // 16):
                            sl = pl.ds(g * 16, 16)
                            vb[b][r, sl] = jnp.maximum(
                                ub[b][r, sl] + vb[b][r, sl], 0.0)

                    pltpu.async_copy(vb[b], agg_sh.at[ridx_ib.at[t]], sem_s,
                                     add=True)

            pltpu.make_async_copy(vbuf1, agg_sh.at[ridx_ib.at[0]], sem_s).wait()

        plsc.subcore_barrier()

        for z in range(nz):
            r0 = rbase + z * _ZR
            pltpu.sync_copy(agg_sh.at[pl.ds(r0, _ZR)], out_hbm.at[pl.ds(r0, _ZR)])

    return k(p, gidx, sidx)


def kernel(x, edge_index, W, b):
    n, d = x.shape
    dout = W.shape[0]
    w1t = jnp.transpose(W[:, :d])
    w2t = jnp.transpose(W[:, d:])
    b2d = b.reshape(1, dout)
    wst = jnp.stack([w1t, w2t])
    bst = jnp.concatenate([jnp.zeros((1, dout), jnp.float32), b2d],
                          axis=0).reshape(2, 1, dout)

    rows = edge_index[0]
    cols = edge_index[1]
    e = rows.shape[0]
    nw = _NCU * _NS
    nblk = e // (nw * _NB * _C)
    rows4 = rows.reshape(nw, nblk, _NB, _C)
    colsn4 = cols.reshape(nw, nblk, _NB, _C) + n

    p = _project(x, wst, bst)
    agg = _edge_agg(p, colsn4, rows4)
    return _final(x, agg, w1t, w2t, b2d)

# --- scband reference (transcript-rebuilt; emitter-appended) ---
"""Pipeline reference for scband-dy-gnnlayer-76347338654223 (READ-ONLY COPY).

The authoritative reference and input builder live on the scoring server;
editing this copy changes nothing except your own understanding.
"""

import jax, jax.numpy as jnp
import numpy as np

N = 10000
E = 320000
D_IN = 128
D_OUT = 128

def setup_inputs(seed: int = 0) -> dict:
    key = jax.random.key(seed)
    k1, k2, k3, k4 = jax.random.split(key, 4)
    x = jax.random.normal(k1, (N, D_IN), dtype=jnp.float32)
    edge_index = jax.random.randint(k2, (2, E), 0, N, dtype=jnp.int32)
    # nn.Linear(in_dim*2, out_dim): weight [out_dim, 2*in_dim], bias [out_dim]
    bound = 1.0 / np.sqrt(2 * D_IN)
    W = jax.random.uniform(k3, (D_OUT, 2 * D_IN), dtype=jnp.float32, minval=-bound, maxval=bound)
    b = jax.random.uniform(k4, (D_OUT,), dtype=jnp.float32, minval=-bound, maxval=bound)
    return {"x": x, "edge_index": edge_index, "W": W, "b": b}

def reference(x, edge_index, W, b):
    row = edge_index[0]
    col = edge_index[1]
    # msg = relu(Linear(cat([x[row], x[col]])))
    msg = jnp.concatenate([jnp.take(x, row, axis=0), jnp.take(x, col, axis=0)], axis=-1)
    msg = jax.nn.relu(msg @ W.T + b)
    # scatter_add into zeros_like(x) along dim 0 indexed by row (out_dim == in_dim)
    agg = jnp.zeros_like(x).at[row].add(msg)
    out = jnp.concatenate([x, agg], axis=-1)
    out = jax.nn.relu(out @ W.T + b)
    return out

if __name__ == "__main__":
    import jax
    _d = setup_inputs()
    print(jax.jit(kernel)(*tuple(_d.values())))

</pallas_src>

<mosaic_0001>
#map = affine_map<(d0, d1) -> (0, 0)>
#map1 = affine_map<(d0, d1) -> (0, 0, 0, 0)>
module attributes {stable_mosaic.version = 14 : i64} {
  func.func @k(%arg0: i32, %arg1: i32, %arg2: memref<20000x128xf32, #tpu.memory_space<hbm>>, %arg3: memref<16x25x10x80xi32, #tpu.memory_space<hbm>>, %arg4: memref<16x25x10x80xi32, #tpu.memory_space<hbm>>, %arg5: memref<10240x128xf32, #tpu.memory_space<hbm>>, %arg6: memref<10x80xi32, #tpu.memory_space<vmem>>, %arg7: memref<10x80xi32, #tpu.memory_space<vmem>>, %arg8: memref<80x128xf32, #tpu.memory_space<vmem>>, %arg9: memref<80x128xf32, #tpu.memory_space<vmem>>, %arg10: memref<80x128xf32, #tpu.memory_space<vmem>>, %arg11: memref<80x128xf32, #tpu.memory_space<vmem>>, %arg12: memref<10240x128xf32, #tpu.memory_space<vmem_shared>>, %arg13: memref<!tpu.dma_semaphore, #tpu.memory_space<semaphore_mem>>, %arg14: memref<!tpu.dma_semaphore, #tpu.memory_space<semaphore_mem>>) attributes {dimension_semantics = [#tpu.dimension_semantics<core_parallel>, #tpu.dimension_semantics<subcore_parallel>], iteration_bounds = array<i64: 1, 16>, scalar_prefetch = 0 : i64, scratch_operands = 9 : i64, tpu.core_type = #tpu.core_type<sc_vector_subcore>, window_params = [{transform_indices = #map}, {transform_indices = #map1}, {transform_indices = #map1}, {transform_indices = #map}]} {
    %scan3A = arith.constant 0 : i32
    %scan3A_0 = arith.constant 80 : i32
    %scan3A_1 = arith.addi %scan3A, %scan3A_0 : i32
    %scan3A_2 = arith.constant 1 : i32
    scf.for %scan3A_36 = %scan3A to %scan3A_1 step %scan3A_2  : i32 {
      %mul3A_37 = arith.constant 1 : i32
      %mul3A_38 = arith.muli %scan3A_36, %mul3A_37 : i32
      %add3A_39 = arith.constant 0 : i32
      %add3A_40 = arith.addi %add3A_39, %mul3A_38 : i32
      %broadcast_in_dim3A = arith.constant 0.000000e+00 : f32
      %broadcast_in_dim3A_41 = vector.broadcast %broadcast_in_dim3A : f32 to vector<16xf32>
      %swap3A = arith.index_cast %add3A_40 : i32 to index
      %swap3A_42 = arith.constant 0 : index
      %swap3A_43 = tpu.vector_load %arg8[%swap3A, %swap3A_42] {strides = array<i32>} : memref<80x128xf32, #tpu.memory_space<vmem>>, vector<16xf32>,
      tpu.vector_store %arg8[%swap3A, %swap3A_42], %broadcast_in_dim3A_41 {strides = array<i32>} : memref<80x128xf32, #tpu.memory_space<vmem>>, vector<16xf32>,
      %broadcast_in_dim3A_44 = arith.constant 0.000000e+00 : f32
      %broadcast_in_dim3A_45 = vector.broadcast %broadcast_in_dim3A_44 : f32 to vector<16xf32>
      %swap3A_46 = arith.index_cast %add3A_40 : i32 to index
      %swap3A_47 = arith.constant 16 : index
      %swap3A_48 = tpu.vector_load %arg8[%swap3A_46, %swap3A_47] {strides = array<i32>} : memref<80x128xf32, #tpu.memory_space<vmem>>, vector<16xf32>,
      tpu.vector_store %arg8[%swap3A_46, %swap3A_47], %broadcast_in_dim3A_45 {strides = array<i32>} : memref<80x128xf32, #tpu.memory_space<vmem>>, vector<16xf32>,
      %broadcast_in_dim3A_49 = arith.constant 0.000000e+00 : f32
      %broadcast_in_dim3A_50 = vector.broadcast %broadcast_in_dim3A_49 : f32 to vector<16xf32>
      %swap3A_51 = arith.index_cast %add3A_40 : i32 to index
      %swap3A_52 = arith.constant 32 : index
      %swap3A_53 = tpu.vector_load %arg8[%swap3A_51, %swap3A_52] {strides = array<i32>} : memref<80x128xf32, #tpu.memory_space<vmem>>, vector<16xf32>,
      tpu.vector_store %arg8[%swap3A_51, %swap3A_52], %broadcast_in_dim3A_50 {strides = array<i32>} : memref<80x128xf32, #tpu.memory_space<vmem>>, vector<16xf32>,
      %broadcast_in_dim3A_54 = arith.constant 0.000000e+00 : f32
      %broadcast_in_dim3A_55 = vector.broadcast %broadcast_in_dim3A_54 : f32 to vector<16xf32>
      %swap3A_56 = arith.index_cast %add3A_40 : i32 to index
      %swap3A_57 = arith.constant 48 : index
      %swap3A_58 = tpu.vector_load %arg8[%swap3A_56, %swap3A_57] {strides = array<i32>} : memref<80x128xf32, #tpu.memory_space<vmem>>, vector<16xf32>,
      tpu.vector_store %arg8[%swap3A_56, %swap3A_57], %broadcast_in_dim3A_55 {strides = array<i32>} : memref<80x128xf32, #tpu.memory_space<vmem>>, vector<16xf32>,
      %broadcast_in_dim3A_59 = arith.constant 0.000000e+00 : f32
      %broadcast_in_dim3A_60 = vector.broadcast %broadcast_in_dim3A_59 : f32 to vector<16xf32>
      %swap3A_61 = arith.index_cast %add3A_40 : i32 to index
      %swap3A_62 = arith.constant 64 : index
      %swap3A_63 = tpu.vector_load %arg8[%swap3A_61, %swap3A_62] {strides = array<i32>} : memref<80x128xf32, #tpu.memory_space<vmem>>, vector<16xf32>,
      tpu.vector_store %arg8[%swap3A_61, %swap3A_62], %broadcast_in_dim3A_60 {strides = array<i32>} : memref<80x128xf32, #tpu.memory_space<vmem>>, vector<16xf32>,
      %broadcast_in_dim3A_64 = arith.constant 0.000000e+00 : f32
      %broadcast_in_dim3A_65 = vector.broadcast %broadcast_in_dim3A_64 : f32 to vector<16xf32>
      %swap3A_66 = arith.index_cast %add3A_40 : i32 to index
      %swap3A_67 = arith.constant 80 : index
      %swap3A_68 = tpu.vector_load %arg8[%swap3A_66, %swap3A_67] {strides = array<i32>} : memref<80x128xf32, #tpu.memory_space<vmem>>, vector<16xf32>,
      tpu.vector_store %arg8[%swap3A_66, %swap3A_67], %broadcast_in_dim3A_65 {strides = array<i32>} : memref<80x128xf32, #tpu.memory_space<vmem>>, vector<16xf32>,
      %broadcast_in_dim3A_69 = arith.constant 0.000000e+00 : f32
      %broadcast_in_dim3A_70 = vector.broadcast %broadcast_in_dim3A_69 : f32 to vector<16xf32>
      %swap3A_71 = arith.index_cast %add3A_40 : i32 to index
      %swap3A_72 = arith.constant 96 : index
      %swap3A_73 = tpu.vector_load %arg8[%swap3A_71, %swap3A_72] {strides = array<i32>} : memref<80x128xf32, #tpu.memory_space<vmem>>, vector<16xf32>,
      tpu.vector_store %arg8[%swap3A_71, %swap3A_72], %broadcast_in_dim3A_70 {strides = array<i32>} : memref<80x128xf32, #tpu.memory_space<vmem>>, vector<16xf32>,
      %broadcast_in_dim3A_74 = arith.constant 0.000000e+00 : f32
      %broadcast_in_dim3A_75 = vector.broadcast %broadcast_in_dim3A_74 : f32 to vector<16xf32>
      %swap3A_76 = arith.index_cast %add3A_40 : i32 to index
      %swap3A_77 = arith.constant 112 : index
      %swap3A_78 = tpu.vector_load %arg8[%swap3A_76, %swap3A_77] {strides = array<i32>} : memref<80x128xf32, #tpu.memory_space<vmem>>, vector<16xf32>,
      tpu.vector_store %arg8[%swap3A_76, %swap3A_77], %broadcast_in_dim3A_75 {strides = array<i32>} : memref<80x128xf32, #tpu.memory_space<vmem>>, vector<16xf32>,
    }
    %scan3A_3 = arith.constant 80 : i32
    %mul3A = arith.constant 640 : i32
    %mul3A_4 = arith.muli %arg1, %mul3A : i32
    %add3A = arith.constant 0 : i32
    %add3A_5 = arith.addi %mul3A_4, %add3A : i32
    "tpu.region"() ({
      %run_scoped3A = tpu.sem_alloc : memref<!tpu.dma_semaphore, #tpu.memory_space<semaphore_mem>>
      %dma_start3A = arith.constant 0 : i32
      %dma_start3A_36 = tpu.memref_slice %arg12[%add3A_5, %dma_start3A] : memref<10240x128xf32, #tpu.memory_space<vmem_shared>> -> memref<80x128xf32, #tpu.memory_space<vmem_shared>>
      %dma_start3A_37 = arith.constant 0 : i32
      %dma_start3A_38 = tpu.memref_slice %arg12[%add3A_5, %dma_start3A_37] : memref<10240x128xf32, #tpu.memory_space<vmem_shared>> -> memref<80x128xf32, #tpu.memory_space<vmem_shared>>
      tpu.enqueue_dma source(%arg8 : memref<80x128xf32, #tpu.memory_space<vmem>>) target(%dma_start3A_38 : memref<80x128xf32, #tpu.memory_space<vmem_shared>>) target_semaphore(%run_scoped3A : memref<!tpu.dma_semaphore, #tpu.memory_space<semaphore_mem>>)
      %dma_wait3A = arith.constant 0 : i32
      %dma_wait3A_39 = tpu.memref_slice %arg12[%add3A_5, %dma_wait3A] : memref<10240x128xf32, #tpu.memory_space<vmem_shared>> -> memref<80x128xf32, #tpu.memory_space<vmem_shared>>
      %dma_wait3A_40 = arith.constant 0 : i32
      %dma_wait3A_41 = tpu.memref_slice %arg12[%add3A_5, %dma_wait3A_40] : memref<10240x128xf32, #tpu.memory_space<vmem_shared>> -> memref<80x128xf32, #tpu.memory_space<vmem_shared>>
      tpu.wait_dma2 semaphore(%run_scoped3A : memref<!tpu.dma_semaphore, #tpu.memory_space<semaphore_mem>>) src(%arg8 : memref<80x128xf32, #tpu.memory_space<vmem>>) dst(%dma_wait3A_41 : memref<80x128xf32, #tpu.memory_space<vmem_shared>>)
      tpu.yield
    }) : () -> ()
    %add3A_6 = arith.constant 80 : i32
    %add3A_7 = arith.addi %mul3A_4, %add3A_6 : i32
    "tpu.region"() ({
      %run_scoped3A = tpu.sem_alloc : memref<!tpu.dma_semaphore, #tpu.memory_space<semaphore_mem>>
      %dma_start3A = arith.constant 0 : i32
      %dma_start3A_36 = tpu.memref_slice %arg12[%add3A_7, %dma_start3A] : memref<10240x128xf32, #tpu.memory_space<vmem_shared>> -> memref<80x128xf32, #tpu.memory_space<vmem_shared>>
      %dma_start3A_37 = arith.constant 0 : i32
      %dma_start3A_38 = tpu.memref_slice %arg12[%add3A_7, %dma_start3A_37] : memref<10240x128xf32, #tpu.memory_space<vmem_shared>> -> memref<80x128xf32, #tpu.memory_space<vmem_shared>>
      tpu.enqueue_dma source(%arg8 : memref<80x128xf32, #tpu.memory_space<vmem>>) target(%dma_start3A_38 : memref<80x128xf32, #tpu.memory_space<vmem_shared>>) target_semaphore(%run_scoped3A : memref<!tpu.dma_semaphore, #tpu.memory_space<semaphore_mem>>)
      %dma_wait3A = arith.constant 0 : i32
      %dma_wait3A_39 = tpu.memref_slice %arg12[%add3A_7, %dma_wait3A] : memref<10240x128xf32, #tpu.memory_space<vmem_shared>> -> memref<80x128xf32, #tpu.memory_space<vmem_shared>>
      %dma_wait3A_40 = arith.constant 0 : i32
      %dma_wait3A_41 = tpu.memref_slice %arg12[%add3A_7, %dma_wait3A_40] : memref<10240x128xf32, #tpu.memory_space<vmem_shared>> -> memref<80x128xf32, #tpu.memory_space<vmem_shared>>
      tpu.wait_dma2 semaphore(%run_scoped3A : memref<!tpu.dma_semaphore, #tpu.memory_space<semaphore_mem>>) src(%arg8 : memref<80x128xf32, #tpu.memory_space<vmem>>) dst(%dma_wait3A_41 : memref<80x128xf32, #tpu.memory_space<vmem_shared>>)
      tpu.yield
    }) : () -> ()
    %add3A_8 = arith.constant 160 : i32
    %add3A_9 = arith.addi %mul3A_4, %add3A_8 : i32
    "tpu.region"() ({
      %run_scoped3A = tpu.sem_alloc : memref<!tpu.dma_semaphore, #tpu.memory_space<semaphore_mem>>
      %dma_start3A = arith.constant 0 : i32
      %dma_start3A_36 = tpu.memref_slice %arg12[%add3A_9, %dma_start3A] : memref<10240x128xf32, #tpu.memory_space<vmem_shared>> -> memref<80x128xf32, #tpu.memory_space<vmem_shared>>
      %dma_start3A_37 = arith.constant 0 : i32
      %dma_start3A_38 = tpu.memref_slice %arg12[%add3A_9, %dma_start3A_37] : memref<10240x128xf32, #tpu.memory_space<vmem_shared>> -> memref<80x128xf32, #tpu.memory_space<vmem_shared>>
      tpu.enqueue_dma source(%arg8 : memref<80x128xf32, #tpu.memory_space<vmem>>) target(%dma_start3A_38 : memref<80x128xf32, #tpu.memory_space<vmem_shared>>) target_semaphore(%run_scoped3A : memref<!tpu.dma_semaphore, #tpu.memory_space<semaphore_mem>>)
      %dma_wait3A = arith.constant 0 : i32
      %dma_wait3A_39 = tpu.memref_slice %arg12[%add3A_9, %dma_wait3A] : memref<10240x128xf32, #tpu.memory_space<vmem_shared>> -> memref<80x128xf32, #tpu.memory_space<vmem_shared>>
      %dma_wait3A_40 = arith.constant 0 : i32
      %dma_wait3A_41 = tpu.memref_slice %arg12[%add3A_9, %dma_wait3A_40] : memref<10240x128xf32, #tpu.memory_space<vmem_shared>> -> memref<80x128xf32, #tpu.memory_space<vmem_shared>>
      tpu.wait_dma2 semaphore(%run_scoped3A : memref<!tpu.dma_semaphore, #tpu.memory_space<semaphore_mem>>) src(%arg8 : memref<80x128xf32, #tpu.memory_space<vmem>>) dst(%dma_wait3A_41 : memref<80x128xf32, #tpu.memory_space<vmem_shared>>)
      tpu.yield
    }) : () -> ()
    %add3A_10 = arith.constant 240 : i32
    %add3A_11 = arith.addi %mul3A_4, %add3A_10 : i32
    "tpu.region"() ({
      %run_scoped3A = tpu.sem_alloc : memref<!tpu.dma_semaphore, #tpu.memory_space<semaphore_mem>>
      %dma_start3A = arith.constant 0 : i32
      %dma_start3A_36 = tpu.memref_slice %arg12[%add3A_11, %dma_start3A] : memref<10240x128xf32, #tpu.memory_space<vmem_shared>> -> memref<80x128xf32, #tpu.memory_space<vmem_shared>>
      %dma_start3A_37 = arith.constant 0 : i32
      %dma_start3A_38 = tpu.memref_slice %arg12[%add3A_11, %dma_start3A_37] : memref<10240x128xf32, #tpu.memory_space<vmem_shared>> -> memref<80x128xf32, #tpu.memory_space<vmem_shared>>
      tpu.enqueue_dma source(%arg8 : memref<80x128xf32, #tpu.memory_space<vmem>>) target(%dma_start3A_38 : memref<80x128xf32, #tpu.memory_space<vmem_shared>>) target_semaphore(%run_scoped3A : memref<!tpu.dma_semaphore, #tpu.memory_space<semaphore_mem>>)
      %dma_wait3A = arith.constant 0 : i32
      %dma_wait3A_39 = tpu.memref_slice %arg12[%add3A_11, %dma_wait3A] : memref<10240x128xf32, #tpu.memory_space<vmem_shared>> -> memref<80x128xf32, #tpu.memory_space<vmem_shared>>
      %dma_wait3A_40 = arith.constant 0 : i32
      %dma_wait3A_41 = tpu.memref_slice %arg12[%add3A_11, %dma_wait3A_40] : memref<10240x128xf32, #tpu.memory_space<vmem_shared>> -> memref<80x128xf32, #tpu.memory_space<vmem_shared>>
      tpu.wait_dma2 semaphore(%run_scoped3A : memref<!tpu.dma_semaphore, #tpu.memory_space<semaphore_mem>>) src(%arg8 : memref<80x128xf32, #tpu.memory_space<vmem>>) dst(%dma_wait3A_41 : memref<80x128xf32, #tpu.memory_space<vmem_shared>>)
      tpu.yield
    }) : () -> ()
    %add3A_12 = arith.constant 320 : i32
    %add3A_13 = arith.addi %mul3A_4, %add3A_12 : i32
    "tpu.region"() ({
      %run_scoped3A = tpu.sem_alloc : memref<!tpu.dma_semaphore, #tpu.memory_space<semaphore_mem>>
      %dma_start3A = arith.constant 0 : i32
      %dma_start3A_36 = tpu.memref_slice %arg12[%add3A_13, %dma_start3A] : memref<10240x128xf32, #tpu.memory_space<vmem_shared>> -> memref<80x128xf32, #tpu.memory_space<vmem_shared>>
      %dma_start3A_37 = arith.constant 0 : i32
      %dma_start3A_38 = tpu.memref_slice %arg12[%add3A_13, %dma_start3A_37] : memref<10240x128xf32, #tpu.memory_space<vmem_shared>> -> memref<80x128xf32, #tpu.memory_space<vmem_shared>>
      tpu.enqueue_dma source(%arg8 : memref<80x128xf32, #tpu.memory_space<vmem>>) target(%dma_start3A_38 : memref<80x128xf32, #tpu.memory_space<vmem_shared>>) target_semaphore(%run_scoped3A : memref<!tpu.dma_semaphore, #tpu.memory_space<semaphore_mem>>)
      %dma_wait3A = arith.constant 0 : i32
      %dma_wait3A_39 = tpu.memref_slice %arg12[%add3A_13, %dma_wait3A] : memref<10240x128xf32, #tpu.memory_space<vmem_shared>> -> memref<80x128xf32, #tpu.memory_space<vmem_shared>>
      %dma_wait3A_40 = arith.constant 0 : i32
      %dma_wait3A_41 = tpu.memref_slice %arg12[%add3A_13, %dma_wait3A_40] : memref<10240x128xf32, #tpu.memory_space<vmem_shared>> -> memref<80x128xf32, #tpu.memory_space<vmem_shared>>
      tpu.wait_dma2 semaphore(%run_scoped3A : memref<!tpu.dma_semaphore, #tpu.memory_space<semaphore_mem>>) src(%arg8 : memref<80x128xf32, #tpu.memory_space<vmem>>) dst(%dma_wait3A_41 : memref<80x128xf32, #tpu.memory_space<vmem_shared>>)
      tpu.yield
    }) : () -> ()
    %add3A_14 = arith.constant 400 : i32
    %add3A_15 = arith.addi %mul3A_4, %add3A_14 : i32
    "tpu.region"() ({
      %run_scoped3A = tpu.sem_alloc : memref<!tpu.dma_semaphore, #tpu.memory_space<semaphore_mem>>
      %dma_start3A = arith.constant 0 : i32
      %dma_start3A_36 = tpu.memref_slice %arg12[%add3A_15, %dma_start3A] : memref<10240x128xf32, #tpu.memory_space<vmem_shared>> -> memref<80x128xf32, #tpu.memory_space<vmem_shared>>
      %dma_start3A_37 = arith.constant 0 : i32
      %dma_start3A_38 = tpu.memref_slice %arg12[%add3A_15, %dma_start3A_37] : memref<10240x128xf32, #tpu.memory_space<vmem_shared>> -> memref<80x128xf32, #tpu.memory_space<vmem_shared>>
      tpu.enqueue_dma source(%arg8 : memref<80x128xf32, #tpu.memory_space<vmem>>) target(%dma_start3A_38 : memref<80x128xf32, #tpu.memory_space<vmem_shared>>) target_semaphore(%run_scoped3A : memref<!tpu.dma_semaphore, #tpu.memory_space<semaphore_mem>>)
      %dma_wait3A = arith.constant 0 : i32
      %dma_wait3A_39 = tpu.memref_slice %arg12[%add3A_15, %dma_wait3A] : memref<10240x128xf32, #tpu.memory_space<vmem_shared>> -> memref<80x128xf32, #tpu.memory_space<vmem_shared>>
      %dma_wait3A_40 = arith.constant 0 : i32
      %dma_wait3A_41 = tpu.memref_slice %arg12[%add3A_15, %dma_wait3A_40] : memref<10240x128xf32, #tpu.memory_space<vmem_shared>> -> memref<80x128xf32, #tpu.memory_space<vmem_shared>>
      tpu.wait_dma2 semaphore(%run_scoped3A : memref<!tpu.dma_semaphore, #tpu.memory_space<semaphore_mem>>) src(%arg8 : memref<80x128xf32, #tpu.memory_space<vmem>>) dst(%dma_wait3A_41 : memref<80x128xf32, #tpu.memory_space<vmem_shared>>)
      tpu.yield
    }) : () -> ()
    %add3A_16 = arith.constant 480 : i32
    %add3A_17 = arith.addi %mul3A_4, %add3A_16 : i32
    "tpu.region"() ({
      %run_scoped3A = tpu.sem_alloc : memref<!tpu.dma_semaphore, #tpu.memory_space<semaphore_mem>>
      %dma_start3A = arith.constant 0 : i32
      %dma_start3A_36 = tpu.memref_slice %arg12[%add3A_17, %dma_start3A] : memref<10240x128xf32, #tpu.memory_space<vmem_shared>> -> memref<80x128xf32, #tpu.memory_space<vmem_shared>>
      %dma_start3A_37 = arith.constant 0 : i32
      %dma_start3A_38 = tpu.memref_slice %arg12[%add3A_17, %dma_start3A_37] : memref<10240x128xf32, #tpu.memory_space<vmem_shared>> -> memref<80x128xf32, #tpu.memory_space<vmem_shared>>
      tpu.enqueue_dma source(%arg8 : memref<80x128xf32, #tpu.memory_space<vmem>>) target(%dma_start3A_38 : memref<80x128xf32, #tpu.memory_space<vmem_shared>>) target_semaphore(%run_scoped3A : memref<!tpu.dma_semaphore, #tpu.memory_space<semaphore_mem>>)
      %dma_wait3A = arith.constant 0 : i32
      %dma_wait3A_39 = tpu.memref_slice %arg12[%add3A_17, %dma_wait3A] : memref<10240x128xf32, #tpu.memory_space<vmem_shared>> -> memref<80x128xf32, #tpu.memory_space<vmem_shared>>
      %dma_wait3A_40 = arith.constant 0 : i32
      %dma_wait3A_41 = tpu.memref_slice %arg12[%add3A_17, %dma_wait3A_40] : memref<10240x128xf32, #tpu.memory_space<vmem_shared>> -> memref<80x128xf32, #tpu.memory_space<vmem_shared>>
      tpu.wait_dma2 semaphore(%run_scoped3A : memref<!tpu.dma_semaphore, #tpu.memory_space<semaphore_mem>>) src(%arg8 : memref<80x128xf32, #tpu.memory_space<vmem>>) dst(%dma_wait3A_41 : memref<80x128xf32, #tpu.memory_space<vmem_shared>>)
      tpu.yield
    }) : () -> ()
    %add3A_18 = arith.constant 560 : i32
    %add3A_19 = arith.addi %mul3A_4, %add3A_18 : i32
    "tpu.region"() ({
      %run_scoped3A = tpu.sem_alloc : memref<!tpu.dma_semaphore, #tpu.memory_space<semaphore_mem>>
      %dma_start3A = arith.constant 0 : i32
      %dma_start3A_36 = tpu.memref_slice %arg12[%add3A_19, %dma_start3A] : memref<10240x128xf32, #tpu.memory_space<vmem_shared>> -> memref<80x128xf32, #tpu.memory_space<vmem_shared>>
      %dma_start3A_37 = arith.constant 0 : i32
      %dma_start3A_38 = tpu.memref_slice %arg12[%add3A_19, %dma_start3A_37] : memref<10240x128xf32, #tpu.memory_space<vmem_shared>> -> memref<80x128xf32, #tpu.memory_space<vmem_shared>>
      tpu.enqueue_dma source(%arg8 : memref<80x128xf32, #tpu.memory_space<vmem>>) target(%dma_start3A_38 : memref<80x128xf32, #tpu.memory_space<vmem_shared>>) target_semaphore(%run_scoped3A : memref<!tpu.dma_semaphore, #tpu.memory_space<semaphore_mem>>)
      %dma_wait3A = arith.constant 0 : i32
      %dma_wait3A_39 = tpu.memref_slice %arg12[%add3A_19, %dma_wait3A] : memref<10240x128xf32, #tpu.memory_space<vmem_shared>> -> memref<80x128xf32, #tpu.memory_space<vmem_shared>>
      %dma_wait3A_40 = arith.constant 0 : i32
      %dma_wait3A_41 = tpu.memref_slice %arg12[%add3A_19, %dma_wait3A_40] : memref<10240x128xf32, #tpu.memory_space<vmem_shared>> -> memref<80x128xf32, #tpu.memory_space<vmem_shared>>
      tpu.wait_dma2 semaphore(%run_scoped3A : memref<!tpu.dma_semaphore, #tpu.memory_space<semaphore_mem>>) src(%arg8 : memref<80x128xf32, #tpu.memory_space<vmem>>) dst(%dma_wait3A_41 : memref<80x128xf32, #tpu.memory_space<vmem_shared>>)
      tpu.yield
    }) : () -> ()
    %barrier3A = arith.constant 0 : index
    tpu.barrier barrier_id(%barrier3A)
    %scan3A_20 = arith.constant 0 : i32
    %scan3A_21 = arith.constant 25 : i32
    %scan3A_22 = arith.addi %scan3A_20, %scan3A_21 : i32
    %scan3A_23 = arith.constant 1 : i32
    scf.for %scan3A_36 = %scan3A_20 to %scan3A_22 step %scan3A_23  : i32 {
      %mul3A_37 = arith.constant 1 : i32
      %mul3A_38 = arith.muli %scan3A_36, %mul3A_37 : i32
      %add3A_39 = arith.constant 0 : i32
      %add3A_40 = arith.addi %add3A_39, %mul3A_38 : i32
      "tpu.region"() ({
        %run_scoped3A = tpu.sem_alloc : memref<!tpu.dma_semaphore, #tpu.memory_space<semaphore_mem>>
        %dma_start3A_65 = arith.constant 0 : i32
        %dma_start3A_66 = arith.constant 0 : i32
        %dma_start3A_67 = tpu.memref_slice %arg3[%arg1, %add3A_40, %dma_start3A_65, %dma_start3A_66] : memref<16x25x10x80xi32, #tpu.memory_space<hbm>> -> memref<1x1x10x80xi32, #tpu.memory_space<hbm>>
        %dma_start3A_68 = tpu.memref_squeeze %dma_start3A_67 : memref<1x1x10x80xi32, #tpu.memory_space<hbm>> -> memref<10x80xi32, #tpu.memory_space<hbm>>
        %dma_start3A_69 = arith.constant 0 : i32
        %dma_start3A_70 = arith.constant 0 : i32
        %dma_start3A_71 = tpu.memref_slice %arg3[%arg1, %add3A_40, %dma_start3A_69, %dma_start3A_70] : memref<16x25x10x80xi32, #tpu.memory_space<hbm>> -> memref<1x1x10x80xi32, #tpu.memory_space<hbm>>
        %dma_start3A_72 = tpu.memref_squeeze %dma_start3A_71 : memref<1x1x10x80xi32, #tpu.memory_space<hbm>> -> memref<10x80xi32, #tpu.memory_space<hbm>>
        tpu.enqueue_dma source(%dma_start3A_72 : memref<10x80xi32, #tpu.memory_space<hbm>>) target(%arg6 : memref<10x80xi32, #tpu.memory_space<vmem>>) target_semaphore(%run_scoped3A : memref<!tpu.dma_semaphore, #tpu.memory_space<semaphore_mem>>)
        %dma_wait3A_73 = arith.constant 0 : i32
        %dma_wait3A_74 = arith.constant 0 : i32
        %dma_wait3A_75 = tpu.memref_slice %arg3[%arg1, %add3A_40, %dma_wait3A_73, %dma_wait3A_74] : memref<16x25x10x80xi32, #tpu.memory_space<hbm>> -> memref<1x1x10x80xi32, #tpu.memory_space<hbm>>
        %dma_wait3A_76 = tpu.memref_squeeze %dma_wait3A_75 : memref<1x1x10x80xi32, #tpu.memory_space<hbm>> -> memref<10x80xi32, #tpu.memory_space<hbm>>
        %dma_wait3A_77 = arith.constant 0 : i32
        %dma_wait3A_78 = arith.constant 0 : i32
        %dma_wait3A_79 = tpu.memref_slice %arg3[%arg1, %add3A_40, %dma_wait3A_77, %dma_wait3A_78] : memref<16x25x10x80xi32, #tpu.memory_space<hbm>> -> memref<1x1x10x80xi32, #tpu.memory_space<hbm>>
        %dma_wait3A_80 = tpu.memref_squeeze %dma_wait3A_79 : memref<1x1x10x80xi32, #tpu.memory_space<hbm>> -> memref<10x80xi32, #tpu.memory_space<hbm>>
        tpu.wait_dma2 semaphore(%run_scoped3A : memref<!tpu.dma_semaphore, #tpu.memory_space<semaphore_mem>>) src(%dma_wait3A_80 : memref<10x80xi32, #tpu.memory_space<hbm>>) dst(%arg6 : memref<10x80xi32, #tpu.memory_space<vmem>>)
        tpu.yield
      }) : () -> ()
      "tpu.region"() ({
        %run_scoped3A = tpu.sem_alloc : memref<!tpu.dma_semaphore, #tpu.memory_space<semaphore_mem>>
        %dma_start3A_65 = arith.constant 0 : i32
        %dma_start3A_66 = arith.constant 0 : i32
        %dma_start3A_67 = tpu.memref_slice %arg4[%arg1, %add3A_40, %dma_start3A_65, %dma_start3A_66] : memref<16x25x10x80xi32, #tpu.memory_space<hbm>> -> memref<1x1x10x80xi32, #tpu.memory_space<hbm>>
        %dma_start3A_68 = tpu.memref_squeeze %dma_start3A_67 : memref<1x1x10x80xi32, #tpu.memory_space<hbm>> -> memref<10x80xi32, #tpu.memory_space<hbm>>
        %dma_start3A_69 = arith.constant 0 : i32
        %dma_start3A_70 = arith.constant 0 : i32
        %dma_start3A_71 = tpu.memref_slice %arg4[%arg1, %add3A_40, %dma_start3A_69, %dma_start3A_70] : memref<16x25x10x80xi32, #tpu.memory_space<hbm>> -> memref<1x1x10x80xi32, #tpu.memory_space<hbm>>
        %dma_start3A_72 = tpu.memref_squeeze %dma_start3A_71 : memref<1x1x10x80xi32, #tpu.memory_space<hbm>> -> memref<10x80xi32, #tpu.memory_space<hbm>>
        tpu.enqueue_dma source(%dma_start3A_72 : memref<10x80xi32, #tpu.memory_space<hbm>>) target(%arg7 : memref<10x80xi32, #tpu.memory_space<vmem>>) target_semaphore(%run_scoped3A : memref<!tpu.dma_semaphore, #tpu.memory_space<semaphore_mem>>)
        %dma_wait3A_73 = arith.constant 0 : i32
        %dma_wait3A_74 = arith.constant 0 : i32
        %dma_wait3A_75 = tpu.memref_slice %arg4[%arg1, %add3A_40, %dma_wait3A_73, %dma_wait3A_74] : memref<16x25x10x80xi32, #tpu.memory_space<hbm>> -> memref<1x1x10x80xi32, #tpu.memory_space<hbm>>
        %dma_wait3A_76 = tpu.memref_squeeze %dma_wait3A_75 : memref<1x1x10x80xi32, #tpu.memory_space<hbm>> -> memref<10x80xi32, #tpu.memory_space<hbm>>
        %dma_wait3A_77 = arith.constant 0 : i32
        %dma_wait3A_78 = arith.constant 0 : i32
        %dma_wait3A_79 = tpu.memref_slice %arg4[%arg1, %add3A_40, %dma_wait3A_77, %dma_wait3A_78] : memref<16x25x10x80xi32, #tpu.memory_space<hbm>> -> memref<1x1x10x80xi32, #tpu.memory_space<hbm>>
        %dma_wait3A_80 = tpu.memref_squeeze %dma_wait3A_79 : memref<1x1x10x80xi32, #tpu.memory_space<hbm>> -> memref<10x80xi32, #tpu.memory_space<hbm>>
        tpu.wait_dma2 semaphore(%run_scoped3A : memref<!tpu.dma_semaphore, #tpu.memory_space<semaphore_mem>>) src(%dma_wait3A_80 : memref<10x80xi32, #tpu.memory_space<hbm>>) dst(%arg7 : memref<10x80xi32, #tpu.memory_space<vmem>>)
        tpu.yield
      }) : () -> ()
      %dma_start3A = arith.constant 0 : i32
      %dma_start3A_41 = arith.constant 0 : i32
      %dma_start3A_42 = tpu.memref_slice %arg7[%dma_start3A, %dma_start3A_41] : memref<10x80xi32, #tpu.memory_space<vmem>> -> memref<1x80xi32, #tpu.memory_space<vmem>>
      %dma_start3A_43 = tpu.memref_squeeze %dma_start3A_42 : memref<1x80xi32, #tpu.memory_space<vmem>> -> memref<80xi32, #tpu.memory_space<vmem>>
      %dma_start3A_44 = arith.constant 0 : i32
      %dma_start3A_45 = arith.constant 0 : i32
      %dma_start3A_46 = tpu.memref_slice %arg2[%dma_start3A_44, %dma_start3A_45] : memref<20000x128xf32, #tpu.memory_space<hbm>> -> memref<20000x128xf32, #tpu.memory_space<hbm>>
      tpu.enqueue_indirect_dma source(%dma_start3A_46 : memref<20000x128xf32, #tpu.memory_space<hbm>>) target(%arg8 : memref<80x128xf32, #tpu.memory_space<vmem>>) offsets(%dma_start3A_43 : memref<80xi32, #tpu.memory_space<vmem>>) semaphore(%arg13 : memref<!tpu.dma_semaphore, #tpu.memory_space<semaphore_mem>>)
      %dma_start3A_47 = arith.constant 0 : i32
      %dma_start3A_48 = arith.constant 0 : i32
      %dma_start3A_49 = tpu.memref_slice %arg6[%dma_start3A_47, %dma_start3A_48] : memref<10x80xi32, #tpu.memory_space<vmem>> -> memref<1x80xi32, #tpu.memory_space<vmem>>
      %dma_start3A_50 = tpu.memref_squeeze %dma_start3A_49 : memref<1x80xi32, #tpu.memory_space<vmem>> -> memref<80xi32, #tpu.memory_space<vmem>>
      %dma_start3A_51 = arith.constant 0 : i32
      %dma_start3A_52 = arith.constant 0 : i32
      %dma_start3A_53 = tpu.memref_slice %arg2[%dma_start3A_51, %dma_start3A_52] : memref<20000x128xf32, #tpu.memory_space<hbm>> -> memref<20000x128xf32, #tpu.memory_space<hbm>>
      tpu.enqueue_indirect_dma source(%dma_start3A_53 : memref<20000x128xf32, #tpu.memory_space<hbm>>) target(%arg10 : memref<80x128xf32, #tpu.memory_space<vmem>>) offsets(%dma_start3A_50 : memref<80xi32, #tpu.memory_space<vmem>>) semaphore(%arg13 : memref<!tpu.dma_semaphore, #tpu.memory_space<semaphore_mem>>)
      %scan3A_54 = arith.constant 0 : i32
      %scan3A_55 = arith.constant 5 : i32
      %scan3A_56 = arith.addi %scan3A_54, %scan3A_55 : i32
      %scan3A_57 = arith.constant 1 : i32
      scf.for %scan3A_65 = %scan3A_54 to %scan3A_56 step %scan3A_57  : i32 {
        %mul3A_66 = arith.constant 2 : i32
        %mul3A_67 = arith.muli %scan3A_65, %mul3A_66 : i32
        %add3A_68 = arith.constant 0 : i32
        %add3A_69 = arith.addi %add3A_68, %mul3A_67 : i32
        %add3A_70 = arith.constant 0 : i32
        %add3A_71 = arith.addi %add3A_69, %add3A_70 : i32
        %dma_wait3A_72 = arith.constant 0 : i32
        %dma_wait3A_73 = tpu.memref_slice %arg7[%add3A_71, %dma_wait3A_72] : memref<10x80xi32, #tpu.memory_space<vmem>> -> memref<1x80xi32, #tpu.memory_space<vmem>>
        %dma_wait3A_74 = tpu.memref_squeeze %dma_wait3A_73 : memref<1x80xi32, #tpu.memory_space<vmem>> -> memref<80xi32, #tpu.memory_space<vmem>>
        %dma_wait3A_75 = arith.constant 0 : i32
        %dma_wait3A_76 = arith.constant 0 : i32
        %dma_wait3A_77 = tpu.memref_slice %arg2[%dma_wait3A_75, %dma_wait3A_76] : memref<20000x128xf32, #tpu.memory_space<hbm>> -> memref<20000x128xf32, #tpu.memory_space<hbm>>
        tpu.wait_indirect_dma semaphore(%arg13 : memref<!tpu.dma_semaphore, #tpu.memory_space<semaphore_mem>>) src(%dma_wait3A_77 : memref<20000x128xf32, #tpu.memory_space<hbm>>) dst(%arg8 : memref<80x128xf32, #tpu.memory_space<vmem>>)
        %dma_wait3A_78 = arith.constant 0 : i32
        %dma_wait3A_79 = tpu.memref_slice %arg6[%add3A_71, %dma_wait3A_78] : memref<10x80xi32, #tpu.memory_space<vmem>> -> memref<1x80xi32, #tpu.memory_space<vmem>>
        %dma_wait3A_80 = tpu.memref_squeeze %dma_wait3A_79 : memref<1x80xi32, #tpu.memory_space<vmem>> -> memref<80xi32, #tpu.memory_space<vmem>>
        %dma_wait3A_81 = arith.constant 0 : i32
        %dma_wait3A_82 = arith.constant 0 : i32
        %dma_wait3A_83 = tpu.memref_slice %arg2[%dma_wait3A_81, %dma_wait3A_82] : memref<20000x128xf32, #tpu.memory_space<hbm>> -> memref<20000x128xf32, #tpu.memory_space<hbm>>
        tpu.wait_indirect_dma semaphore(%arg13 : memref<!tpu.dma_semaphore, #tpu.memory_space<semaphore_mem>>) src(%dma_wait3A_83 : memref<20000x128xf32, #tpu.memory_space<hbm>>) dst(%arg10 : memref<80x128xf32, #tpu.memory_space<vmem>>)
        %ge3A = arith.constant 1 : i32
        %ge3A_84 = arith.cmpi sge, %add3A_69, %ge3A : i32
        %convert_element_type3A = arith.extui %ge3A_84 : i1 to i32
        %cond3A = arith.constant 0 : i32
        %cond3A_85 = arith.cmpi ne, %convert_element_type3A, %cond3A : i32
        scf.if %cond3A_85 {
          %dma_wait3A_149 = arith.constant 0 : i32
          %dma_wait3A_150 = arith.constant 0 : i32
          %dma_wait3A_151 = tpu.memref_slice %arg7[%dma_wait3A_149, %dma_wait3A_150] : memref<10x80xi32, #tpu.memory_space<vmem>> -> memref<1x80xi32, #tpu.memory_space<vmem>>
          %dma_wait3A_152 = tpu.memref_squeeze %dma_wait3A_151 : memref<1x80xi32, #tpu.memory_space<vmem>> -> memref<80xi32, #tpu.memory_space<vmem>>
          %dma_wait3A_153 = arith.constant 0 : i32
          %dma_wait3A_154 = arith.constant 0 : i32
          %dma_wait3A_155 = tpu.memref_slice %arg12[%dma_wait3A_153, %dma_wait3A_154] : memref<10240x128xf32, #tpu.memory_space<vmem_shared>> -> memref<10240x128xf32, #tpu.memory_space<vmem_shared>>
          tpu.wait_indirect_dma semaphore(%arg14 : memref<!tpu.dma_semaphore, #tpu.memory_space<semaphore_mem>>) src(%arg11 : memref<80x128xf32, #tpu.memory_space<vmem>>) dst(%dma_wait3A_155 : memref<10240x128xf32, #tpu.memory_space<vmem_shared>>)
        } else {
        }
        %add3A_86 = arith.constant 1 : i32
        %add3A_87 = arith.addi %add3A_71, %add3A_86 : i32
        %dma_start3A_88 = arith.constant 0 : i32
        %dma_start3A_89 = tpu.memref_slice %arg7[%add3A_87, %dma_start3A_88] : memref<10x80xi32, #tpu.memory_space<vmem>> -> memref<1x80xi32, #tpu.memory_space<vmem>>
        %dma_start3A_90 = tpu.memref_squeeze %dma_start3A_89 : memref<1x80xi32, #tpu.memory_space<vmem>> -> memref<80xi32, #tpu.memory_space<vmem>>
        %dma_start3A_91 = arith.constant 0 : i32
        %dma_start3A_92 = arith.constant 0 : i32
        %dma_start3A_93 = tpu.memref_slice %arg2[%dma_start3A_91, %dma_start3A_92] : memref<20000x128xf32, #tpu.memory_space<hbm>> -> memref<20000x128xf32, #tpu.memory_space<hbm>>
        tpu.enqueue_indirect_dma source(%dma_start3A_93 : memref<20000x128xf32, #tpu.memory_space<hbm>>) target(%arg9 : memref<80x128xf32, #tpu.memory_space<vmem>>) offsets(%dma_start3A_90 : memref<80xi32, #tpu.memory_space<vmem>>) semaphore(%arg13 : memref<!tpu.dma_semaphore, #tpu.memory_space<semaphore_mem>>)
        %add3A_94 = arith.constant 1 : i32
        %add3A_95 = arith.addi %add3A_71, %add3A_94 : i32
        %dma_start3A_96 = arith.constant 0 : i32
        %dma_start3A_97 = tpu.memref_slice %arg6[%add3A_95, %dma_start3A_96] : memref<10x80xi32, #tpu.memory_space<vmem>> -> memref<1x80xi32, #tpu.memory_space<vmem>>
        %dma_start3A_98 = tpu.memref_squeeze %dma_start3A_97 : memref<1x80xi32, #tpu.memory_space<vmem>> -> memref<80xi32, #tpu.memory_space<vmem>>
        %dma_start3A_99 = arith.constant 0 : i32
        %dma_start3A_100 = arith.constant 0 : i32
        %dma_start3A_101 = tpu.memref_slice %arg2[%dma_start3A_99, %dma_start3A_100] : memref<20000x128xf32, #tpu.memory_space<hbm>> -> memref<20000x128xf32, #tpu.memory_space<hbm>>
        tpu.enqueue_indirect_dma source(%dma_start3A_101 : memref<20000x128xf32, #tpu.memory_space<hbm>>) target(%arg11 : memref<80x128xf32, #tpu.memory_space<vmem>>) offsets(%dma_start3A_98 : memref<80xi32, #tpu.memory_space<vmem>>) semaphore(%arg13 : memref<!tpu.dma_semaphore, #tpu.memory_space<semaphore_mem>>)
        %scan3A_102 = arith.constant 0 : i32
        %scan3A_103 = arith.constant 80 : i32
        %scan3A_104 = arith.addi %scan3A_102, %scan3A_103 : i32
        %scan3A_105 = arith.constant 1 : i32
        scf.for %scan3A_149 = %scan3A_102 to %scan3A_104 step %scan3A_105  : i32 {
          %mul3A_150 = arith.constant 1 : i32
          %mul3A_151 = arith.muli %scan3A_149, %mul3A_150 : i32
          %add3A_152 = arith.constant 0 : i32
          %add3A_153 = arith.addi %add3A_152, %mul3A_151 : i32
          %get3A = arith.index_cast %add3A_153 : i32 to index
          %get3A_154 = arith.constant 0 : index
          %get3A_155 = tpu.vector_load %arg8[%get3A, %get3A_154] {strides = array<i32>} : memref<80x128xf32, #tpu.memory_space<vmem>>, vector<16xf32>,
          %get3A_156 = arith.index_cast %add3A_153 : i32 to index
          %get3A_157 = arith.constant 0 : index
          %get3A_158 = tpu.vector_load %arg10[%get3A_156, %get3A_157] {strides = array<i32>} : memref<80x128xf32, #tpu.memory_space<vmem>>, vector<16xf32>,
          %add3A_159 = arith.addf %get3A_155, %get3A_158 : vector<16xf32>
          %max3A = arith.constant 0.000000e+00 : f32
          %max3A_160 = vector.broadcast %max3A : f32 to vector<16xf32>
          %max3A_161 = arith.maximumf %add3A_159, %max3A_160 : vector<16xf32>
          %swap3A = arith.index_cast %add3A_153 : i32 to index
          %swap3A_162 = arith.constant 0 : index
          %swap3A_163 = tpu.vector_load %arg10[%swap3A, %swap3A_162] {strides = array<i32>} : memref<80x128xf32, #tpu.memory_space<vmem>>, vector<16xf32>,
          tpu.vector_store %arg10[%swap3A, %swap3A_162], %max3A_161 {strides = array<i32>} : memref<80x128xf32, #tpu.memory_space<vmem>>, vector<16xf32>,
          %get3A_164 = arith.index_cast %add3A_153 : i32 to index
          %get3A_165 = arith.constant 16 : index
          %get3A_166 = tpu.vector_load %arg8[%get3A_164, %get3A_165] {strides = array<i32>} : memref<80x128xf32, #tpu.memory_space<vmem>>, vector<16xf32>,
          %get3A_167 = arith.index_cast %add3A_153 : i32 to index
          %get3A_168 = arith.constant 16 : index
          %get3A_169 = tpu.vector_load %arg10[%get3A_167, %get3A_168] {strides = array<i32>} : memref<80x128xf32, #tpu.memory_space<vmem>>, vector<16xf32>,
          %add3A_170 = arith.addf %get3A_166, %get3A_169 : vector<16xf32>
          %max3A_171 = arith.constant 0.000000e+00 : f32
          %max3A_172 = vector.broadcast %max3A_171 : f32 to vector<16xf32>
          %max3A_173 = arith.maximumf %add3A_170, %max3A_172 : vector<16xf32>
          %swap3A_174 = arith.index_cast %add3A_153 : i32 to index
          %swap3A_175 = arith.constant 16 : index
          %swap3A_176 = tpu.vector_load %arg10[%swap3A_174, %swap3A_175] {strides = array<i32>} : memref<80x128xf32, #tpu.memory_space<vmem>>, vector<16xf32>,
          tpu.vector_store %arg10[%swap3A_174, %swap3A_175], %max3A_173 {strides = array<i32>} : memref<80x128xf32, #tpu.memory_space<vmem>>, vector<16xf32>,
          %get3A_177 = arith.index_cast %add3A_153 : i32 to index
          %get3A_178 = arith.constant 32 : index
          %get3A_179 = tpu.vector_load %arg8[%get3A_177, %get3A_178] {strides = array<i32>} : memref<80x128xf32, #tpu.memory_space<vmem>>, vector<16xf32>,
          %get3A_180 = arith.index_cast %add3A_153 : i32 to index
          %get3A_181 = arith.constant 32 : index
          %get3A_182 = tpu.vector_load %arg10[%get3A_180, %get3A_181] {strides = array<i32>} : memref<80x128xf32, #tpu.memory_space<vmem>>, vector<16xf32>,
          %add3A_183 = arith.addf %get3A_179, %get3A_182 : vector<16xf32>
          %max3A_184 = arith.constant 0.000000e+00 : f32
          %max3A_185 = vector.broadcast %max3A_184 : f32 to vector<16xf32>
          %max3A_186 = arith.maximumf %add3A_183, %max3A_185 : vector<16xf32>
          %swap3A_187 = arith.index_cast %add3A_153 : i32 to index
          %swap3A_188 = arith.constant 32 : index
          %swap3A_189 = tpu.vector_load %arg10[%swap3A_187, %swap3A_188] {strides = array<i32>} : memref<80x128xf32, #tpu.memory_space<vmem>>, vector<16xf32>,
          tpu.vector_store %arg10[%swap3A_187, %swap3A_188], %max3A_186 {strides = array<i32>} : memref<80x128xf32, #tpu.memory_space<vmem>>, vector<16xf32>,
          %get3A_190 = arith.index_cast %add3A_153 : i32 to index
          %get3A_191 = arith.constant 48 : index
          %get3A_192 = tpu.vector_load %arg8[%get3A_190, %get3A_191] {strides = array<i32>} : memref<80x128xf32, #tpu.memory_space<vmem>>, vector<16xf32>,
          %get3A_193 = arith.index_cast %add3A_153 : i32 to index
          %get3A_194 = arith.constant 48 : index
          %get3A_195 = tpu.vector_load %arg10[%get3A_193, %get3A_194] {strides = array<i32>} : memref<80x128xf32, #tpu.memory_space<vmem>>, vector<16xf32>,
          %add3A_196 = arith.addf %get3A_192, %get3A_195 : vector<16xf32>
          %max3A_197 = arith.constant 0.000000e+00 : f32
          %max3A_198 = vector.broadcast %max3A_197 : f32 to vector<16xf32>
          %max3A_199 = arith.maximumf %add3A_196, %max3A_198 : vector<16xf32>
          %swap3A_200 = arith.index_cast %add3A_153 : i32 to index
          %swap3A_201 = arith.constant 48 : index
          %swap3A_202 = tpu.vector_load %arg10[%swap3A_200, %swap3A_201] {strides = array<i32>} : memref<80x128xf32, #tpu.memory_space<vmem>>, vector<16xf32>,
          tpu.vector_store %arg10[%swap3A_200, %swap3A_201], %max3A_199 {strides = array<i32>} : memref<80x128xf32, #tpu.memory_space<vmem>>, vector<16xf32>,
          %get3A_203 = arith.index_cast %add3A_153 : i32 to index
          %get3A_204 = arith.constant 64 : index
          %get3A_205 = tpu.vector_load %arg8[%get3A_203, %get3A_204] {strides = array<i32>} : memref<80x128xf32, #tpu.memory_space<vmem>>, vector<16xf32>,
          %get3A_206 = arith.index_cast %add3A_153 : i32 to index
          %get3A_207 = arith.constant 64 : index
          %get3A_208 = tpu.vector_load %arg10[%get3A_206, %get3A_207] {strides = array<i32>} : memref<80x128xf32, #tpu.memory_space<vmem>>, vector<16xf32>,
          %add3A_209 = arith.addf %get3A_205, %get3A_208 : vector<16xf32>
          %max3A_210 = arith.constant 0.000000e+00 : f32
          %max3A_211 = vector.broadcast %max3A_210 : f32 to vector<16xf32>
          %max3A_212 = arith.maximumf %add3A_209, %max3A_211 : vector<16xf32>
          %swap3A_213 = arith.index_cast %add3A_153 : i32 to index
          %swap3A_214 = arith.constant 64 : index
          %swap3A_215 = tpu.vector_load %arg10[%swap3A_213, %swap3A_214] {strides = array<i32>} : memref<80x128xf32, #tpu.memory_space<vmem>>, vector<16xf32>,
          tpu.vector_store %arg10[%swap3A_213, %swap3A_214], %max3A_212 {strides = array<i32>} : memref<80x128xf32, #tpu.memory_space<vmem>>, vector<16xf32>,
          %get3A_216 = arith.index_cast %add3A_153 : i32 to index
          %get3A_217 = arith.constant 80 : index
          %get3A_218 = tpu.vector_load %arg8[%get3A_216, %get3A_217] {strides = array<i32>} : memref<80x128xf32, #tpu.memory_space<vmem>>, vector<16xf32>,
          %get3A_219 = arith.index_cast %add3A_153 : i32 to index
          %get3A_220 = arith.constant 80 : index
          %get3A_221 = tpu.vector_load %arg10[%get3A_219, %get3A_220] {strides = array<i32>} : memref<80x128xf32, #tpu.memory_space<vmem>>, vector<16xf32>,
          %add3A_222 = arith.addf %get3A_218, %get3A_221 : vector<16xf32>
          %max3A_223 = arith.constant 0.000000e+00 : f32
          %max3A_224 = vector.broadcast %max3A_223 : f32 to vector<16xf32>
          %max3A_225 = arith.maximumf %add3A_222, %max3A_224 : vector<16xf32>
          %swap3A_226 = arith.index_cast %add3A_153 : i32 to index
          %swap3A_227 = arith.constant 80 : index
          %swap3A_228 = tpu.vector_load %arg10[%swap3A_226, %swap3A_227] {strides = array<i32>} : memref<80x128xf32, #tpu.memory_space<vmem>>, vector<16xf32>,
          tpu.vector_store %arg10[%swap3A_226, %swap3A_227], %max3A_225 {strides = array<i32>} : memref<80x128xf32, #tpu.memory_space<vmem>>, vector<16xf32>,
          %get3A_229 = arith.index_cast %add3A_153 : i32 to index
          %get3A_230 = arith.constant 96 : index
          %get3A_231 = tpu.vector_load %arg8[%get3A_229, %get3A_230] {strides = array<i32>} : memref<80x128xf32, #tpu.memory_space<vmem>>, vector<16xf32>,
          %get3A_232 = arith.index_cast %add3A_153 : i32 to index
          %get3A_233 = arith.constant 96 : index
          %get3A_234 = tpu.vector_load %arg10[%get3A_232, %get3A_233] {strides = array<i32>} : memref<80x128xf32, #tpu.memory_space<vmem>>, vector<16xf32>,
          %add3A_235 = arith.addf %get3A_231, %get3A_234 : vector<16xf32>
          %max3A_236 = arith.constant 0.000000e+00 : f32
          %max3A_237 = vector.broadcast %max3A_236 : f32 to vector<16xf32>
          %max3A_238 = arith.maximumf %add3A_235, %max3A_237 : vector<16xf32>
          %swap3A_239 = arith.index_cast %add3A_153 : i32 to index
          %swap3A_240 = arith.constant 96 : index
          %swap3A_241 = tpu.vector_load %arg10[%swap3A_239, %swap3A_240] {strides = array<i32>} : memref<80x128xf32, #tpu.memory_space<vmem>>, vector<16xf32>,
          tpu.vector_store %arg10[%swap3A_239, %swap3A_240], %max3A_238 {strides = array<i32>} : memref<80x128xf32, #tpu.memory_space<vmem>>, vector<16xf32>,
          %get3A_242 = arith.index_cast %add3A_153 : i32 to index
          %get3A_243 = arith.constant 112 : index
          %get3A_244 = tpu.vector_load %arg8[%get3A_242, %get3A_243] {strides = array<i32>} : memref<80x128xf32, #tpu.memory_space<vmem>>, vector<16xf32>,
          %get3A_245 = arith.index_cast %add3A_153 : i32 to index
          %get3A_246 = arith.constant 112 : index
          %get3A_247 = tpu.vector_load %arg10[%get3A_245, %get3A_246] {strides = array<i32>} : memref<80x128xf32, #tpu.memory_space<vmem>>, vector<16xf32>,
          %add3A_248 = arith.addf %get3A_244, %get3A_247 : vector<16xf32>
          %max3A_249 = arith.constant 0.000000e+00 : f32
          %max3A_250 = vector.broadcast %max3A_249 : f32 to vector<16xf32>
          %max3A_251 = arith.maximumf %add3A_248, %max3A_250 : vector<16xf32>
          %swap3A_252 = arith.index_cast %add3A_153 : i32 to index
          %swap3A_253 = arith.constant 112 : index
          %swap3A_254 = tpu.vector_load %arg10[%swap3A_252, %swap3A_253] {strides = array<i32>} : memref<80x128xf32, #tpu.memory_space<vmem>>, vector<16xf32>,
          tpu.vector_store %arg10[%swap3A_252, %swap3A_253], %max3A_251 {strides = array<i32>} : memref<80x128xf32, #tpu.memory_space<vmem>>, vector<16xf32>,
        }
        %scan3A_106 = arith.constant 80 : i32
        %dma_start3A_107 = arith.constant 0 : i32
        %dma_start3A_108 = tpu.memref_slice %arg7[%add3A_71, %dma_start3A_107] : memref<10x80xi32, #tpu.memory_space<vmem>> -> memref<1x80xi32, #tpu.memory_space<vmem>>
        %dma_start3A_109 = tpu.memref_squeeze %dma_start3A_108 : memref<1x80xi32, #tpu.memory_space<vmem>> -> memref<80xi32, #tpu.memory_space<vmem>>
        %dma_start3A_110 = arith.constant 0 : i32
        %dma_start3A_111 = arith.constant 0 : i32
        %dma_start3A_112 = tpu.memref_slice %arg12[%dma_start3A_110, %dma_start3A_111] : memref<10240x128xf32, #tpu.memory_space<vmem_shared>> -> memref<10240x128xf32, #tpu.memory_space<vmem_shared>>
        tpu.enqueue_indirect_dma source(%arg10 : memref<80x128xf32, #tpu.memory_space<vmem>>) target(%dma_start3A_112 : memref<10240x128xf32, #tpu.memory_space<vmem_shared>>) offsets(%dma_start3A_109 : memref<80xi32, #tpu.memory_space<vmem>>) semaphore(%arg14 : memref<!tpu.dma_semaphore, #tpu.memory_space<semaphore_mem>>) {add = true}
        %add3A_113 = arith.constant 1 : i32
        %add3A_114 = arith.addi %add3A_69, %add3A_113 : i32
        %dma_wait3A_115 = arith.constant 0 : i32
        %dma_wait3A_116 = tpu.memref_slice %arg7[%add3A_114, %dma_wait3A_115] : memref<10x80xi32, #tpu.memory_space<vmem>> -> memref<1x80xi32, #tpu.memory_space<vmem>>
        %dma_wait3A_117 = tpu.memref_squeeze %dma_wait3A_116 : memref<1x80xi32, #tpu.memory_space<vmem>> -> memref<80xi32, #tpu.memory_space<vmem>>
        %dma_wait3A_118 = arith.constant 0 : i32
        %dma_wait3A_119 = arith.constant 0 : i32
        %dma_wait3A_120 = tpu.memref_slice %arg2[%dma_wait3A_118, %dma_wait3A_119] : memref<20000x128xf32, #tpu.memory_space<hbm>> -> memref<20000x128xf32, #tpu.memory_space<hbm>>
        tpu.wait_indirect_dma semaphore(%arg13 : memref<!tpu.dma_semaphore, #tpu.memory_space<semaphore_mem>>) src(%dma_wait3A_120 : memref<20000x128xf32, #tpu.memory_space<hbm>>) dst(%arg9 : memref<80x128xf32, #tpu.memory_space<vmem>>)
        %dma_wait3A_121 = arith.constant 0 : i32
        %dma_wait3A_122 = tpu.memref_slice %arg6[%add3A_114, %dma_wait3A_121] : memref<10x80xi32, #tpu.memory_space<vmem>> -> memref<1x80xi32, #tpu.memory_space<vmem>>
        %dma_wait3A_123 = tpu.memref_squeeze %dma_wait3A_122 : memref<1x80xi32, #tpu.memory_space<vmem>> -> memref<80xi32, #tpu.memory_space<vmem>>
        %dma_wait3A_124 = arith.constant 0 : i32
        %dma_wait3A_125 = arith.constant 0 : i32
        %dma_wait3A_126 = tpu.memref_slice %arg2[%dma_wait3A_124, %dma_wait3A_125] : memref<20000x128xf32, #tpu.memory_space<hbm>> -> memref<20000x128xf32, #tpu.memory_space<hbm>>
        tpu.wait_indirect_dma semaphore(%arg13 : memref<!tpu.dma_semaphore, #tpu.memory_space<semaphore_mem>>) src(%dma_wait3A_126 : memref<20000x128xf32, #tpu.memory_space<hbm>>) dst(%arg11 : memref<80x128xf32, #tpu.memory_space<vmem>>)
        %dma_wait3A_127 = arith.constant 0 : i32
        %dma_wait3A_128 = arith.constant 0 : i32
        %dma_wait3A_129 = tpu.memref_slice %arg7[%dma_wait3A_127, %dma_wait3A_128] : memref<10x80xi32, #tpu.memory_space<vmem>> -> memref<1x80xi32, #tpu.memory_space<vmem>>
        %dma_wait3A_130 = tpu.memref_squeeze %dma_wait3A_129 : memref<1x80xi32, #tpu.memory_space<vmem>> -> memref<80xi32, #tpu.memory_space<vmem>>
        %dma_wait3A_131 = arith.constant 0 : i32
        %dma_wait3A_132 = arith.constant 0 : i32
        %dma_wait3A_133 = tpu.memref_slice %arg12[%dma_wait3A_131, %dma_wait3A_132] : memref<10240x128xf32, #tpu.memory_space<vmem_shared>> -> memref<10240x128xf32, #tpu.memory_space<vmem_shared>>
        tpu.wait_indirect_dma semaphore(%arg14 : memref<!tpu.dma_semaphore, #tpu.memory_space<semaphore_mem>>) src(%arg10 : memref<80x128xf32, #tpu.memory_space<vmem>>) dst(%dma_wait3A_133 : memref<10240x128xf32, #tpu.memory_space<vmem_shared>>)
        %lt3A = arith.constant 8 : i32
        %lt3A_134 = arith.cmpi slt, %add3A_69, %lt3A : i32
        %convert_element_type3A_135 = arith.extui %lt3A_134 : i1 to i32
        %cond3A_136 = arith.constant 0 : i32
        %cond3A_137 = arith.cmpi ne, %convert_element_type3A_135, %cond3A_136 : i32
        scf.if %cond3A_137 {
          %add3A_149 = arith.constant 1 : i32
          %add3A_150 = arith.addi %add3A_114, %add3A_149 : i32
          %dma_start3A_151 = arith.constant 0 : i32
          %dma_start3A_152 = tpu.memref_slice %arg7[%add3A_150, %dma_start3A_151] : memref<10x80xi32, #tpu.memory_space<vmem>> -> memref<1x80xi32, #tpu.memory_space<vmem>>
          %dma_start3A_153 = tpu.memref_squeeze %dma_start3A_152 : memref<1x80xi32, #tpu.memory_space<vmem>> -> memref<80xi32, #tpu.memory_space<vmem>>
          %dma_start3A_154 = arith.constant 0 : i32
          %dma_start3A_155 = arith.constant 0 : i32
          %dma_start3A_156 = tpu.memref_slice %arg2[%dma_start3A_154, %dma_start3A_155] : memref<20000x128xf32, #tpu.memory_space<hbm>> -> memref<20000x128xf32, #tpu.memory_space<hbm>>
          tpu.enqueue_indirect_dma source(%dma_start3A_156 : memref<20000x128xf32, #tpu.memory_space<hbm>>) target(%arg8 : memref<80x128xf32, #tpu.memory_space<vmem>>) offsets(%dma_start3A_153 : memref<80xi32, #tpu.memory_space<vmem>>) semaphore(%arg13 : memref<!tpu.dma_semaphore, #tpu.memory_space<semaphore_mem>>)
          %add3A_157 = arith.constant 1 : i32
          %add3A_158 = arith.addi %add3A_114, %add3A_157 : i32
          %dma_start3A_159 = arith.constant 0 : i32
          %dma_start3A_160 = tpu.memref_slice %arg6[%add3A_158, %dma_start3A_159] : memref<10x80xi32, #tpu.memory_space<vmem>> -> memref<1x80xi32, #tpu.memory_space<vmem>>
          %dma_start3A_161 = tpu.memref_squeeze %dma_start3A_160 : memref<1x80xi32, #tpu.memory_space<vmem>> -> memref<80xi32, #tpu.memory_space<vmem>>
          %dma_start3A_162 = arith.constant 0 : i32
          %dma_start3A_163 = arith.constant 0 : i32
          %dma_start3A_164 = tpu.memref_slice %arg2[%dma_start3A_162, %dma_start3A_163] : memref<20000x128xf32, #tpu.memory_space<hbm>> -> memref<20000x128xf32, #tpu.memory_space<hbm>>
          tpu.enqueue_indirect_dma source(%dma_start3A_164 : memref<20000x128xf32, #tpu.memory_space<hbm>>) target(%arg10 : memref<80x128xf32, #tpu.memory_space<vmem>>) offsets(%dma_start3A_161 : memref<80xi32, #tpu.memory_space<vmem>>) semaphore(%arg13 : memref<!tpu.dma_semaphore, #tpu.memory_space<semaphore_mem>>)
        } else {
        }
        %scan3A_138 = arith.constant 0 : i32
        %scan3A_139 = arith.constant 80 : i32
        %scan3A_140 = arith.addi %scan3A_138, %scan3A_139 : i32
        %scan3A_141 = arith.constant 1 : i32
        scf.for %scan3A_149 = %scan3A_138 to %scan3A_140 step %scan3A_141  : i32 {
          %mul3A_150 = arith.constant 1 : i32
          %mul3A_151 = arith.muli %scan3A_149, %mul3A_150 : i32
          %add3A_152 = arith.constant 0 : i32
          %add3A_153 = arith.addi %add3A_152, %mul3A_151 : i32
          %get3A = arith.index_cast %add3A_153 : i32 to index
          %get3A_154 = arith.constant 0 : index
          %get3A_155 = tpu.vector_load %arg9[%get3A, %get3A_154] {strides = array<i32>} : memref<80x128xf32, #tpu.memory_space<vmem>>, vector<16xf32>,
          %get3A_156 = arith.index_cast %add3A_153 : i32 to index
          %get3A_157 = arith.constant 0 : index
          %get3A_158 = tpu.vector_load %arg11[%get3A_156, %get3A_157] {strides = array<i32>} : memref<80x128xf32, #tpu.memory_space<vmem>>, vector<16xf32>,
          %add3A_159 = arith.addf %get3A_155, %get3A_158 : vector<16xf32>
          %max3A = arith.constant 0.000000e+00 : f32
          %max3A_160 = vector.broadcast %max3A : f32 to vector<16xf32>
          %max3A_161 = arith.maximumf %add3A_159, %max3A_160 : vector<16xf32>
          %swap3A = arith.index_cast %add3A_153 : i32 to index
          %swap3A_162 = arith.constant 0 : index
          %swap3A_163 = tpu.vector_load %arg11[%swap3A, %swap3A_162] {strides = array<i32>} : memref<80x128xf32, #tpu.memory_space<vmem>>, vector<16xf32>,
          tpu.vector_store %arg11[%swap3A, %swap3A_162], %max3A_161 {strides = array<i32>} : memref<80x128xf32, #tpu.memory_space<vmem>>, vector<16xf32>,
          %get3A_164 = arith.index_cast %add3A_153 : i32 to index
          %get3A_165 = arith.constant 16 : index
          %get3A_166 = tpu.vector_load %arg9[%get3A_164, %get3A_165] {strides = array<i32>} : memref<80x128xf32, #tpu.memory_space<vmem>>, vector<16xf32>,
          %get3A_167 = arith.index_cast %add3A_153 : i32 to index
          %get3A_168 = arith.constant 16 : index
          %get3A_169 = tpu.vector_load %arg11[%get3A_167, %get3A_168] {strides = array<i32>} : memref<80x128xf32, #tpu.memory_space<vmem>>, vector<16xf32>,
          %add3A_170 = arith.addf %get3A_166, %get3A_169 : vector<16xf32>
          %max3A_171 = arith.constant 0.000000e+00 : f32
          %max3A_172 = vector.broadcast %max3A_171 : f32 to vector<16xf32>
          %max3A_173 = arith.maximumf %add3A_170, %max3A_172 : vector<16xf32>
          %swap3A_174 = arith.index_cast %add3A_153 : i32 to index
          %swap3A_175 = arith.constant 16 : index
          %swap3A_176 = tpu.vector_load %arg11[%swap3A_174, %swap3A_175] {strides = array<i32>} : memref<80x128xf32, #tpu.memory_space<vmem>>, vector<16xf32>,
          tpu.vector_store %arg11[%swap3A_174, %swap3A_175], %max3A_173 {strides = array<i32>} : memref<80x128xf32, #tpu.memory_space<vmem>>, vector<16xf32>,
          %get3A_177 = arith.index_cast %add3A_153 : i32 to index
          %get3A_178 = arith.constant 32 : index
          %get3A_179 = tpu.vector_load %arg9[%get3A_177, %get3A_178] {strides = array<i32>} : memref<80x128xf32, #tpu.memory_space<vmem>>, vector<16xf32>,
          %get3A_180 = arith.index_cast %add3A_153 : i32 to index
          %get3A_181 = arith.constant 32 : index
          %get3A_182 = tpu.vector_load %arg11[%get3A_180, %get3A_181] {strides = array<i32>} : memref<80x128xf32, #tpu.memory_space<vmem>>, vector<16xf32>,
          %add3A_183 = arith.addf %get3A_179, %get3A_182 : vector<16xf32>
          %max3A_184 = arith.constant 0.000000e+00 : f32
          %max3A_185 = vector.broadcast %max3A_184 : f32 to vector<16xf32>
          %max3A_186 = arith.maximumf %add3A_183, %max3A_185 : vector<16xf32>
          %swap3A_187 = arith.index_cast %add3A_153 : i32 to index
          %swap3A_188 = arith.constant 32 : index
          %swap3A_189 = tpu.vector_load %arg11[%swap3A_187, %swap3A_188] {strides = array<i32>} : memref<80x128xf32, #tpu.memory_space<vmem>>, vector<16xf32>,
          tpu.vector_store %arg11[%swap3A_187, %swap3A_188], %max3A_186 {strides = array<i32>} : memref<80x128xf32, #tpu.memory_space<vmem>>, vector<16xf32>,
          %get3A_190 = arith.index_cast %add3A_153 : i32 to index
          %get3A_191 = arith.constant 48 : index
          %get3A_192 = tpu.vector_load %arg9[%get3A_190, %get3A_191] {strides = array<i32>} : memref<80x128xf32, #tpu.memory_space<vmem>>, vector<16xf32>,
          %get3A_193 = arith.index_cast %add3A_153 : i32 to index
          %get3A_194 = arith.constant 48 : index
          %get3A_195 = tpu.vector_load %arg11[%get3A_193, %get3A_194] {strides = array<i32>} : memref<80x128xf32, #tpu.memory_space<vmem>>, vector<16xf32>,
          %add3A_196 = arith.addf %get3A_192, %get3A_195 : vector<16xf32>
          %max3A_197 = arith.constant 0.000000e+00 : f32
          %max3A_198 = vector.broadcast %max3A_197 : f32 to vector<16xf32>
          %max3A_199 = arith.maximumf %add3A_196, %max3A_198 : vector<16xf32>
          %swap3A_200 = arith.index_cast %add3A_153 : i32 to index
          %swap3A_201 = arith.constant 48 : index
          %swap3A_202 = tpu.vector_load %arg11[%swap3A_200, %swap3A_201] {strides = array<i32>} : memref<80x128xf32, #tpu.memory_space<vmem>>, vector<16xf32>,
          tpu.vector_store %arg11[%swap3A_200, %swap3A_201], %max3A_199 {strides = array<i32>} : memref<80x128xf32, #tpu.memory_space<vmem>>, vector<16xf32>,
          %get3A_203 = arith.index_cast %add3A_153 : i32 to index
          %get3A_204 = arith.constant 64 : index
          %get3A_205 = tpu.vector_load %arg9[%get3A_203, %get3A_204] {strides = array<i32>} : memref<80x128xf32, #tpu.memory_space<vmem>>, vector<16xf32>,
          %get3A_206 = arith.index_cast %add3A_153 : i32 to index
          %get3A_207 = arith.constant 64 : index
          %get3A_208 = tpu.vector_load %arg11[%get3A_206, %get3A_207] {strides = array<i32>} : memref<80x128xf32, #tpu.memory_space<vmem>>, vector<16xf32>,
          %add3A_209 = arith.addf %get3A_205, %get3A_208 : vector<16xf32>
          %max3A_210 = arith.constant 0.000000e+00 : f32
          %max3A_211 = vector.broadcast %max3A_210 : f32 to vector<16xf32>
          %max3A_212 = arith.maximumf %add3A_209, %max3A_211 : vector<16xf32>
          %swap3A_213 = arith.index_cast %add3A_153 : i32 to index
          %swap3A_214 = arith.constant 64 : index
          %swap3A_215 = tpu.vector_load %arg11[%swap3A_213, %swap3A_214] {strides = array<i32>} : memref<80x128xf32, #tpu.memory_space<vmem>>, vector<16xf32>,
          tpu.vector_store %arg11[%swap3A_213, %swap3A_214], %max3A_212 {strides = array<i32>} : memref<80x128xf32, #tpu.memory_space<vmem>>, vector<16xf32>,
          %get3A_216 = arith.index_cast %add3A_153 : i32 to index
          %get3A_217 = arith.constant 80 : index
          %get3A_218 = tpu.vector_load %arg9[%get3A_216, %get3A_217] {strides = array<i32>} : memref<80x128xf32, #tpu.memory_space<vmem>>, vector<16xf32>,
          %get3A_219 = arith.index_cast %add3A_153 : i32 to index
          %get3A_220 = arith.constant 80 : index
          %get3A_221 = tpu.vector_load %arg11[%get3A_219, %get3A_220] {strides = array<i32>} : memref<80x128xf32, #tpu.memory_space<vmem>>, vector<16xf32>,
          %add3A_222 = arith.addf %get3A_218, %get3A_221 : vector<16xf32>
          %max3A_223 = arith.constant 0.000000e+00 : f32
          %max3A_224 = vector.broadcast %max3A_223 : f32 to vector<16xf32>
          %max3A_225 = arith.maximumf %add3A_222, %max3A_224 : vector<16xf32>
          %swap3A_226 = arith.index_cast %add3A_153 : i32 to index
          %swap3A_227 = arith.constant 80 : index
          %swap3A_228 = tpu.vector_load %arg11[%swap3A_226, %swap3A_227] {strides = array<i32>} : memref<80x128xf32, #tpu.memory_space<vmem>>, vector<16xf32>,
          tpu.vector_store %arg11[%swap3A_226, %swap3A_227], %max3A_225 {strides = array<i32>} : memref<80x128xf32, #tpu.memory_space<vmem>>, vector<16xf32>,
          %get3A_229 = arith.index_cast %add3A_153 : i32 to index
          %get3A_230 = arith.constant 96 : index
          %get3A_231 = tpu.vector_load %arg9[%get3A_229, %get3A_230] {strides = array<i32>} : memref<80x128xf32, #tpu.memory_space<vmem>>, vector<16xf32>,
          %get3A_232 = arith.index_cast %add3A_153 : i32 to index
          %get3A_233 = arith.constant 96 : index
          %get3A_234 = tpu.vector_load %arg11[%get3A_232, %get3A_233] {strides = array<i32>} : memref<80x128xf32, #tpu.memory_space<vmem>>, vector<16xf32>,
          %add3A_235 = arith.addf %get3A_231, %get3A_234 : vector<16xf32>
          %max3A_236 = arith.constant 0.000000e+00 : f32
          %max3A_237 = vector.broadcast %max3A_236 : f32 to vector<16xf32>
          %max3A_238 = arith.maximumf %add3A_235, %max3A_237 : vector<16xf32>
          %swap3A_239 = arith.index_cast %add3A_153 : i32 to index
          %swap3A_240 = arith.constant 96 : index
          %swap3A_241 = tpu.vector_load %arg11[%swap3A_239, %swap3A_240] {strides = array<i32>} : memref<80x128xf32, #tpu.memory_space<vmem>>, vector<16xf32>,
          tpu.vector_store %arg11[%swap3A_239, %swap3A_240], %max3A_238 {strides = array<i32>} : memref<80x128xf32, #tpu.memory_space<vmem>>, vector<16xf32>,
          %get3A_242 = arith.index_cast %add3A_153 : i32 to index
          %get3A_243 = arith.constant 112 : index
          %get3A_244 = tpu.vector_load %arg9[%get3A_242, %get3A_243] {strides = array<i32>} : memref<80x128xf32, #tpu.memory_space<vmem>>, vector<16xf32>,
          %get3A_245 = arith.index_cast %add3A_153 : i32 to index
          %get3A_246 = arith.constant 112 : index
          %get3A_247 = tpu.vector_load %arg11[%get3A_245, %get3A_246] {strides = array<i32>} : memref<80x128xf32, #tpu.memory_space<vmem>>, vector<16xf32>,
          %add3A_248 = arith.addf %get3A_244, %get3A_247 : vector<16xf32>
          %max3A_249 = arith.constant 0.000000e+00 : f32
          %max3A_250 = vector.broadcast %max3A_249 : f32 to vector<16xf32>
          %max3A_251 = arith.maximumf %add3A_248, %max3A_250 : vector<16xf32>
          %swap3A_252 = arith.index_cast %add3A_153 : i32 to index
          %swap3A_253 = arith.constant 112 : index
          %swap3A_254 = tpu.vector_load %arg11[%swap3A_252, %swap3A_253] {strides = array<i32>} : memref<80x128xf32, #tpu.memory_space<vmem>>, vector<16xf32>,
          tpu.vector_store %arg11[%swap3A_252, %swap3A_253], %max3A_251 {strides = array<i32>} : memref<80x128xf32, #tpu.memory_space<vmem>>, vector<16xf32>,
        }
        %scan3A_142 = arith.constant 80 : i32
        %dma_start3A_143 = arith.constant 0 : i32
        %dma_start3A_144 = tpu.memref_slice %arg7[%add3A_114, %dma_start3A_143] : memref<10x80xi32, #tpu.memory_space<vmem>> -> memref<1x80xi32, #tpu.memory_space<vmem>>
        %dma_start3A_145 = tpu.memref_squeeze %dma_start3A_144 : memref<1x80xi32, #tpu.memory_space<vmem>> -> memref<80xi32, #tpu.memory_space<vmem>>
        %dma_start3A_146 = arith.constant 0 : i32
        %dma_start3A_147 = arith.constant 0 : i32
        %dma_start3A_148 = tpu.memref_slice %arg12[%dma_start3A_146, %dma_start3A_147] : memref<10240x128xf32, #tpu.memory_space<vmem_shared>> -> memref<10240x128xf32, #tpu.memory_space<vmem_shared>>
        tpu.enqueue_indirect_dma source(%arg11 : memref<80x128xf32, #tpu.memory_space<vmem>>) target(%dma_start3A_148 : memref<10240x128xf32, #tpu.memory_space<vmem_shared>>) offsets(%dma_start3A_145 : memref<80xi32, #tpu.memory_space<vmem>>) semaphore(%arg14 : memref<!tpu.dma_semaphore, #tpu.memory_space<semaphore_mem>>) {add = true}
      }
      %scan3A_58 = arith.constant 5 : i32
      %dma_wait3A = arith.constant 0 : i32
      %dma_wait3A_59 = arith.constant 0 : i32
      %dma_wait3A_60 = tpu.memref_slice %arg7[%dma_wait3A, %dma_wait3A_59] : memref<10x80xi32, #tpu.memory_space<vmem>> -> memref<1x80xi32, #tpu.memory_space<vmem>>
      %dma_wait3A_61 = tpu.memref_squeeze %dma_wait3A_60 : memref<1x80xi32, #tpu.memory_space<vmem>> -> memref<80xi32, #tpu.memory_space<vmem>>
      %dma_wait3A_62 = arith.constant 0 : i32
      %dma_wait3A_63 = arith.constant 0 : i32
      %dma_wait3A_64 = tpu.memref_slice %arg12[%dma_wait3A_62, %dma_wait3A_63] : memref<10240x128xf32, #tpu.memory_space<vmem_shared>> -> memref<10240x128xf32, #tpu.memory_space<vmem_shared>>
      tpu.wait_indirect_dma semaphore(%arg14 : memref<!tpu.dma_semaphore, #tpu.memory_space<semaphore_mem>>) src(%arg11 : memref<80x128xf32, #tpu.memory_space<vmem>>) dst(%dma_wait3A_64 : memref<10240x128xf32, #tpu.memory_space<vmem_shared>>)
    }
    %scan3A_24 = arith.constant 25 : i32
    %barrier3A_25 = arith.constant 0 : index
    tpu.barrier barrier_id(%barrier3A_25)
    %add3A_26 = arith.constant 0 : i32
    %add3A_27 = arith.addi %mul3A_4, %add3A_26 : i32
    "tpu.region"() ({
      %run_scoped3A = tpu.sem_alloc : memref<!tpu.dma_semaphore, #tpu.memory_space<semaphore_mem>>
      %dma_start3A = arith.constant 0 : i32
      %dma_start3A_36 = tpu.memref_slice %arg5[%add3A_27, %dma_start3A] : memref<10240x128xf32, #tpu.memory_space<hbm>> -> memref<128x128xf32, #tpu.memory_space<hbm>>
      %dma_start3A_37 = arith.constant 0 : i32
      %dma_start3A_38 = tpu.memref_slice %arg12[%add3A_27, %dma_start3A_37] : memref<10240x128xf32, #tpu.memory_space<vmem_shared>> -> memref<128x128xf32, #tpu.memory_space<vmem_shared>>
      tpu.enqueue_dma source(%dma_start3A_38 : memref<128x128xf32, #tpu.memory_space<vmem_shared>>) target(%dma_start3A_36 : memref<128x128xf32, #tpu.memory_space<hbm>>) target_semaphore(%run_scoped3A : memref<!tpu.dma_semaphore, #tpu.memory_space<semaphore_mem>>)
      %dma_wait3A = arith.constant 0 : i32
      %dma_wait3A_39 = tpu.memref_slice %arg5[%add3A_27, %dma_wait3A] : memref<10240x128xf32, #tpu.memory_space<hbm>> -> memref<128x128xf32, #tpu.memory_space<hbm>>
      %dma_wait3A_40 = arith.constant 0 : i32
      %dma_wait3A_41 = tpu.memref_slice %arg12[%add3A_27, %dma_wait3A_40] : memref<10240x128xf32, #tpu.memory_space<vmem_shared>> -> memref<128x128xf32, #tpu.memory_space<vmem_shared>>
      tpu.wait_dma2 semaphore(%run_scoped3A : memref<!tpu.dma_semaphore, #tpu.memory_space<semaphore_mem>>) src(%dma_wait3A_41 : memref<128x128xf32, #tpu.memory_space<vmem_shared>>) dst(%dma_wait3A_39 : memref<128x128xf32, #tpu.memory_space<hbm>>)
      tpu.yield
    }) : () -> ()
    %add3A_28 = arith.constant 128 : i32
    %add3A_29 = arith.addi %mul3A_4, %add3A_28 : i32
    "tpu.region"() ({
      %run_scoped3A = tpu.sem_alloc : memref<!tpu.dma_semaphore, #tpu.memory_space<semaphore_mem>>
      %dma_start3A = arith.constant 0 : i32
      %dma_start3A_36 = tpu.memref_slice %arg5[%add3A_29, %dma_start3A] : memref<10240x128xf32, #tpu.memory_space<hbm>> -> memref<128x128xf32, #tpu.memory_space<hbm>>
      %dma_start3A_37 = arith.constant 0 : i32
      %dma_start3A_38 = tpu.memref_slice %arg12[%add3A_29, %dma_start3A_37] : memref<10240x128xf32, #tpu.memory_space<vmem_shared>> -> memref<128x128xf32, #tpu.memory_space<vmem_shared>>
      tpu.enqueue_dma source(%dma_start3A_38 : memref<128x128xf32, #tpu.memory_space<vmem_shared>>) target(%dma_start3A_36 : memref<128x128xf32, #tpu.memory_space<hbm>>) target_semaphore(%run_scoped3A : memref<!tpu.dma_semaphore, #tpu.memory_space<semaphore_mem>>)
      %dma_wait3A = arith.constant 0 : i32
      %dma_wait3A_39 = tpu.memref_slice %arg5[%add3A_29, %dma_wait3A] : memref<10240x128xf32, #tpu.memory_space<hbm>> -> memref<128x128xf32, #tpu.memory_space<hbm>>
      %dma_wait3A_40 = arith.constant 0 : i32
      %dma_wait3A_41 = tpu.memref_slice %arg12[%add3A_29, %dma_wait3A_40] : memref<10240x128xf32, #tpu.memory_space<vmem_shared>> -> memref<128x128xf32, #tpu.memory_space<vmem_shared>>
      tpu.wait_dma2 semaphore(%run_scoped3A : memref<!tpu.dma_semaphore, #tpu.memory_space<semaphore_mem>>) src(%dma_wait3A_41 : memref<128x128xf32, #tpu.memory_space<vmem_shared>>) dst(%dma_wait3A_39 : memref<128x128xf32, #tpu.memory_space<hbm>>)
      tpu.yield
    }) : () -> ()
    %add3A_30 = arith.constant 256 : i32
    %add3A_31 = arith.addi %mul3A_4, %add3A_30 : i32
    "tpu.region"() ({
      %run_scoped3A = tpu.sem_alloc : memref<!tpu.dma_semaphore, #tpu.memory_space<semaphore_mem>>
      %dma_start3A = arith.constant 0 : i32
      %dma_start3A_36 = tpu.memref_slice %arg5[%add3A_31, %dma_start3A] : memref<10240x128xf32, #tpu.memory_space<hbm>> -> memref<128x128xf32, #tpu.memory_space<hbm>>
      %dma_start3A_37 = arith.constant 0 : i32
      %dma_start3A_38 = tpu.memref_slice %arg12[%add3A_31, %dma_start3A_37] : memref<10240x128xf32, #tpu.memory_space<vmem_shared>> -> memref<128x128xf32, #tpu.memory_space<vmem_shared>>
      tpu.enqueue_dma source(%dma_start3A_38 : memref<128x128xf32, #tpu.memory_space<vmem_shared>>) target(%dma_start3A_36 : memref<128x128xf32, #tpu.memory_space<hbm>>) target_semaphore(%run_scoped3A : memref<!tpu.dma_semaphore, #tpu.memory_space<semaphore_mem>>)
      %dma_wait3A = arith.constant 0 : i32
      %dma_wait3A_39 = tpu.memref_slice %arg5[%add3A_31, %dma_wait3A] : memref<10240x128xf32, #tpu.memory_space<hbm>> -> memref<128x128xf32, #tpu.memory_space<hbm>>
      %dma_wait3A_40 = arith.constant 0 : i32
      %dma_wait3A_41 = tpu.memref_slice %arg12[%add3A_31, %dma_wait3A_40] : memref<10240x128xf32, #tpu.memory_space<vmem_shared>> -> memref<128x128xf32, #tpu.memory_space<vmem_shared>>
      tpu.wait_dma2 semaphore(%run_scoped3A : memref<!tpu.dma_semaphore, #tpu.memory_space<semaphore_mem>>) src(%dma_wait3A_41 : memref<128x128xf32, #tpu.memory_space<vmem_shared>>) dst(%dma_wait3A_39 : memref<128x128xf32, #tpu.memory_space<hbm>>)
      tpu.yield
    }) : () -> ()
    %add3A_32 = arith.constant 384 : i32
    %add3A_33 = arith.addi %mul3A_4, %add3A_32 : i32
    "tpu.region"() ({
      %run_scoped3A = tpu.sem_alloc : memref<!tpu.dma_semaphore, #tpu.memory_space<semaphore_mem>>
      %dma_start3A = arith.constant 0 : i32
      %dma_start3A_36 = tpu.memref_slice %arg5[%add3A_33, %dma_start3A] : memref<10240x128xf32, #tpu.memory_space<hbm>> -> memref<128x128xf32, #tpu.memory_space<hbm>>
      %dma_start3A_37 = arith.constant 0 : i32
      %dma_start3A_38 = tpu.memref_slice %arg12[%add3A_33, %dma_start3A_37] : memref<10240x128xf32, #tpu.memory_space<vmem_shared>> -> memref<128x128xf32, #tpu.memory_space<vmem_shared>>
      tpu.enqueue_dma source(%dma_start3A_38 : memref<128x128xf32, #tpu.memory_space<vmem_shared>>) target(%dma_start3A_36 : memref<128x128xf32, #tpu.memory_space<hbm>>) target_semaphore(%run_scoped3A : memref<!tpu.dma_semaphore, #tpu.memory_space<semaphore_mem>>)
      %dma_wait3A = arith.constant 0 : i32
      %dma_wait3A_39 = tpu.memref_slice %arg5[%add3A_33, %dma_wait3A] : memref<10240x128xf32, #tpu.memory_space<hbm>> -> memref<128x128xf32, #tpu.memory_space<hbm>>
      %dma_wait3A_40 = arith.constant 0 : i32
      %dma_wait3A_41 = tpu.memref_slice %arg12[%add3A_33, %dma_wait3A_40] : memref<10240x128xf32, #tpu.memory_space<vmem_shared>> -> memref<128x128xf32, #tpu.memory_space<vmem_shared>>
      tpu.wait_dma2 semaphore(%run_scoped3A : memref<!tpu.dma_semaphore, #tpu.memory_space<semaphore_mem>>) src(%dma_wait3A_41 : memref<128x128xf32, #tpu.memory_space<vmem_shared>>) dst(%dma_wait3A_39 : memref<128x128xf32, #tpu.memory_space<hbm>>)
      tpu.yield
    }) : () -> ()
    %add3A_34 = arith.constant 512 : i32
    %add3A_35 = arith.addi %mul3A_4, %add3A_34 : i32
    "tpu.region"() ({
      %run_scoped3A = tpu.sem_alloc : memref<!tpu.dma_semaphore, #tpu.memory_space<semaphore_mem>>
      %dma_start3A = arith.constant 0 : i32
      %dma_start3A_36 = tpu.memref_slice %arg5[%add3A_35, %dma_start3A] : memref<10240x128xf32, #tpu.memory_space<hbm>> -> memref<128x128xf32, #tpu.memory_space<hbm>>
      %dma_start3A_37 = arith.constant 0 : i32
      %dma_start3A_38 = tpu.memref_slice %arg12[%add3A_35, %dma_start3A_37] : memref<10240x128xf32, #tpu.memory_space<vmem_shared>> -> memref<128x128xf32, #tpu.memory_space<vmem_shared>>
      tpu.enqueue_dma source(%dma_start3A_38 : memref<128x128xf32, #tpu.memory_space<vmem_shared>>) target(%dma_start3A_36 : memref<128x128xf32, #tpu.memory_space<hbm>>) target_semaphore(%run_scoped3A : memref<!tpu.dma_semaphore, #tpu.memory_space<semaphore_mem>>)
      %dma_wait3A = arith.constant 0 : i32
      %dma_wait3A_39 = tpu.memref_slice %arg5[%add3A_35, %dma_wait3A] : memref<10240x128xf32, #tpu.memory_space<hbm>> -> memref<128x128xf32, #tpu.memory_space<hbm>>
      %dma_wait3A_40 = arith.constant 0 : i32
      %dma_wait3A_41 = tpu.memref_slice %arg12[%add3A_35, %dma_wait3A_40] : memref<10240x128xf32, #tpu.memory_space<vmem_shared>> -> memref<128x128xf32, #tpu.memory_space<vmem_shared>>
      tpu.wait_dma2 semaphore(%run_scoped3A : memref<!tpu.dma_semaphore, #tpu.memory_space<semaphore_mem>>) src(%dma_wait3A_41 : memref<128x128xf32, #tpu.memory_space<vmem_shared>>) dst(%dma_wait3A_39 : memref<128x128xf32, #tpu.memory_space<hbm>>)
      tpu.yield
    }) : () -> ()
    return
  }
}

module attributes {stable_mosaic.version = 14 : i64} {
  func.func @_final_body(%arg0: i32, %arg1: memref<2000x128xf32, #tpu.memory_space<vmem>>, %arg2: memref<2000x128xf32, #tpu.memory_space<vmem>>, %arg3: memref<128x128xf32, #tpu.memory_space<vmem>>, %arg4: memref<128x128xf32, #tpu.memory_space<vmem>>, %arg5: memref<1x128xf32, #tpu.memory_space<vmem>>, %arg6: memref<2000x128xf32, #tpu.memory_space<vmem>>) attributes {dimension_semantics = [#tpu.dimension_semantics<arbitrary>], iteration_bounds = array<i64: 5>, scalar_prefetch = 0 : i64, scratch_operands = 0 : i64, tpu.core_type = #tpu.core_type<tc>, window_params = [{transform_indices = @transform_0, window_bounds = array<i64: 2000, 128>}, {transform_indices = @transform_1, window_bounds = array<i64: 2000, 128>}, {pipeline_mode = #tpu.pipeline_mode<synchronous>, transform_indices = @transform_2, window_bounds = array<i64: 128, 128>}, {pipeline_mode = #tpu.pipeline_mode<synchronous>, transform_indices = @transform_3, window_bounds = array<i64: 128, 128>}, {pipeline_mode = #tpu.pipeline_mode<synchronous>, transform_indices = @transform_4, window_bounds = array<i64: 1, 128>}, {transform_indices = @transform_5, window_bounds = array<i64: 2000, 128>}]} {
    %get3A = arith.constant 0 : index
    %get3A_0 = arith.constant 0 : index
    %get3A_1 = vector.load %arg1[%get3A, %get3A_0] : memref<2000x128xf32, #tpu.memory_space<vmem>>, vector<2000x128xf32>
    %get3A_2 = arith.constant 0 : index
    %get3A_3 = arith.constant 0 : index
    %get3A_4 = vector.load %arg3[%get3A_2, %get3A_3] : memref<128x128xf32, #tpu.memory_space<vmem>>, vector<128x128xf32>
    %dot_general3A = arith.constant dense<0.000000e+00> : vector<2000x128xf32>
    %dot_general3A_5 = tpu.matmul %get3A_1, %get3A_4, %dot_general3A {dimension_numbers = #tpu.dot_dimension_numbers<[1], [0], [0], [1], [0, 0, 1, 1], [], []>, precision = #tpu.contract_precision<fp32>, transpose_lhs_hint = false} : vector<2000x128xf32>, vector<128x128xf32>, vector<2000x128xf32> -> vector<2000x128xf32>
    %get3A_6 = arith.constant 0 : index
    %get3A_7 = arith.constant 0 : index
    %get3A_8 = vector.load %arg2[%get3A_6, %get3A_7] : memref<2000x128xf32, #tpu.memory_space<vmem>>, vector<2000x128xf32>
    %get3A_9 = arith.constant 0 : index
    %get3A_10 = arith.constant 0 : index
    %get3A_11 = vector.load %arg4[%get3A_9, %get3A_10] : memref<128x128xf32, #tpu.memory_space<vmem>>, vector<128x128xf32>
    %dot_general3A_12 = arith.constant dense<0.000000e+00> : vector<2000x128xf32>
    %dot_general3A_13 = tpu.matmul %get3A_8, %get3A_11, %dot_general3A_12 {dimension_numbers = #tpu.dot_dimension_numbers<[1], [0], [0], [1], [0, 0, 1, 1], [], []>, precision = #tpu.contract_precision<fp32>, transpose_lhs_hint = false} : vector<2000x128xf32>, vector<128x128xf32>, vector<2000x128xf32> -> vector<2000x128xf32>
    %add3A = arith.addf %dot_general3A_5, %dot_general3A_13 : vector<2000x128xf32>
    %get3A_14 = arith.constant 0 : index
    %get3A_15 = arith.constant 0 : index
    %get3A_16 = vector.load %arg5[%get3A_14, %get3A_15] : memref<1x128xf32, #tpu.memory_space<vmem>>, vector<1x128xf32>
    %add3A_17 = vector.broadcast %get3A_16 : vector<1x128xf32> to vector<2000x128xf32>
    %add3A_18 = arith.addf %add3A, %add3A_17 : vector<2000x128xf32>
    %max3A = arith.constant 0.000000e+00 : f32
    %max3A_19 = vector.broadcast %max3A : f32 to vector<2000x128xf32>
    %max3A_20 = arith.maximumf %add3A_18, %max3A_19 : vector<2000x128xf32>
    %swap3A = arith.constant 0 : index
    %swap3A_21 = arith.constant 0 : index
    %swap3A_22 = vector.load %arg6[%swap3A, %swap3A_21] : memref<2000x128xf32, #tpu.memory_space<vmem>>, vector<2000x128xf32>
    tpu.vector_store %arg6[%swap3A, %swap3A_21], %max3A_20 {strides = array<i32>} : memref<2000x128xf32, #tpu.memory_space<vmem>>, vector<2000x128xf32>,
    return
  }
  func.func @transform_0(%arg0: i32) -> (i32, i32) {
    %c0_i32 = arith.constant 0 : i32
    %c0_i32_0 = arith.constant 0 : i32
    return %arg0, %c0_i32 : i32, i32
  }
  func.func @transform_1(%arg0: i32) -> (i32, i32) {
    %c0_i32 = arith.constant 0 : i32
    %c0_i32_0 = arith.constant 0 : i32
    return %arg0, %c0_i32 : i32, i32
  }
  func.func @transform_2(%arg0: i32) -> (i32, i32) {
    %c0_i32 = arith.constant 0 : i32
    %c0_i32_0 = arith.constant 0 : i32
    %c0_i32_1 = arith.constant 0 : i32
    return %c0_i32, %c0_i32_0 : i32, i32
  }
  func.func @transform_3(%arg0: i32) -> (i32, i32) {
    %c0_i32 = arith.constant 0 : i32
    %c0_i32_0 = arith.constant 0 : i32
    %c0_i32_1 = arith.constant 0 : i32
    return %c0_i32, %c0_i32_0 : i32, i32
  }
  func.func @transform_4(%arg0: i32) -> (i32, i32) {
    %c0_i32 = arith.constant 0 : i32
    %c0_i32_0 = arith.constant 0 : i32
    %c0_i32_1 = arith.constant 0 : i32
    return %c0_i32, %c0_i32_0 : i32, i32
  }
  func.func @transform_5(%arg0: i32) -> (i32, i32) {
    %c0_i32 = arith.constant 0 : i32
    %c0_i32_0 = arith.constant 0 : i32
    return %arg0, %c0_i32 : i32, i32
  }
}

module attributes {stable_mosaic.version = 14 : i64} {
  func.func @_proj_body(%arg0: i32, %arg1: i32, %arg2: memref<2000x128xf32, #tpu.memory_space<vmem>>, %arg3: memref<1x128x128xf32, #tpu.memory_space<vmem>>, %arg4: memref<1x1x128xf32, #tpu.memory_space<vmem>>, %arg5: memref<2000x128xf32, #tpu.memory_space<vmem>>) attributes {dimension_semantics = [#tpu.dimension_semantics<arbitrary>, #tpu.dimension_semantics<arbitrary>], iteration_bounds = array<i64: 2, 5>, scalar_prefetch = 0 : i64, scratch_operands = 0 : i64, tpu.core_type = #tpu.core_type<tc>, window_params = [{transform_indices = @transform_0, window_bounds = array<i64: 2000, 128>}, {transform_indices = @transform_1, window_bounds = array<i64: 1, 128, 128>}, {transform_indices = @transform_2, window_bounds = array<i64: 1, 1, 128>}, {transform_indices = @transform_3, window_bounds = array<i64: 2000, 128>}]} {
    %get3A = arith.constant 0 : index
    %get3A_0 = arith.constant 0 : index
    %get3A_1 = vector.load %arg2[%get3A, %get3A_0] : memref<2000x128xf32, #tpu.memory_space<vmem>>, vector<2000x128xf32>
    %get3A_2 = arith.constant 0 : index
    %get3A_3 = arith.constant 0 : index
    %get3A_4 = arith.constant 0 : index
    %get3A_5 = vector.load %arg3[%get3A_2, %get3A_3, %get3A_4] : memref<1x128x128xf32, #tpu.memory_space<vmem>>, vector<1x128x128xf32>
    %get3A_6 = vector.shape_cast %get3A_5 : vector<1x128x128xf32> to vector<128x128xf32>
    %dot_general3A = arith.constant dense<0.000000e+00> : vector<2000x128xf32>
    %dot_general3A_7 = tpu.matmul %get3A_1, %get3A_6, %dot_general3A {dimension_numbers = #tpu.dot_dimension_numbers<[1], [0], [0], [1], [0, 0, 1, 1], [], []>, precision = #tpu.contract_precision<fp32>, transpose_lhs_hint = false} : vector<2000x128xf32>, vector<128x128xf32>, vector<2000x128xf32> -> vector<2000x128xf32>
    %get3A_8 = arith.constant 0 : index
    %get3A_9 = arith.constant 0 : index
    %get3A_10 = arith.constant 0 : index
    %get3A_11 = vector.load %arg4[%get3A_8, %get3A_9, %get3A_10] : memref<1x1x128xf32, #tpu.memory_space<vmem>>, vector<1x1x128xf32>
    %get3A_12 = vector.shape_cast %get3A_11 : vector<1x1x128xf32> to vector<1x128xf32>
    %add3A = vector.broadcast %get3A_12 : vector<1x128xf32> to vector<2000x128xf32>
    %add3A_13 = arith.addf %dot_general3A_7, %add3A : vector<2000x128xf32>
    %swap3A = arith.constant 0 : index
    %swap3A_14 = arith.constant 0 : index
    %swap3A_15 = vector.load %arg5[%swap3A, %swap3A_14] : memref<2000x128xf32, #tpu.memory_space<vmem>>, vector<2000x128xf32>
    tpu.vector_store %arg5[%swap3A, %swap3A_14], %add3A_13 {strides = array<i32>} : memref<2000x128xf32, #tpu.memory_space<vmem>>, vector<2000x128xf32>,
    return
  }
  func.func @transform_0(%arg0: i32, %arg1: i32) -> (i32, i32) {
    %c0_i32 = arith.constant 0 : i32
    %c0_i32_0 = arith.constant 0 : i32
    return %arg1, %c0_i32 : i32, i32
  }
  func.func @transform_1(%arg0: i32, %arg1: i32) -> (i32, i32, i32) {
    %c0_i32 = arith.constant 0 : i32
    %c0_i32_0 = arith.constant 0 : i32
    %c0_i32_1 = arith.constant 0 : i32
    return %arg0, %c0_i32, %c0_i32_0 : i32, i32, i32
  }
  func.func @transform_2(%arg0: i32, %arg1: i32) -> (i32, i32, i32) {
    %c0_i32 = arith.constant 0 : i32
    %c0_i32_0 = arith.constant 0 : i32
    %c0_i32_1 = arith.constant 0 : i32
    return %arg0, %c0_i32, %c0_i32_0 : i32, i32, i32
  }
  func.func @transform_3(%arg0: i32, %arg1: i32) -> (i32, i32) {
    %mul3A = arith.constant 5 : i32
    %mul3A_0 = arith.muli %arg0, %mul3A : i32
    %add3A = arith.addi %mul3A_0, %arg1 : i32
    %c0_i32 = arith.constant 0 : i32
    %c0_i32_1 = arith.constant 0 : i32
    return %add3A, %c0_i32 : i32, i32
  }
}

</mosaic_0001>

<sc_bundles>
// kernel: kernel.5.cloned.1.call-start
scs
__scs_entry_jumppad:
0x0: {  	(pc) =	sbr.rel $0x88, $3  }
0x1: {  	(tag) =	ssettag $0x0;
	lr =	simm.s32 $0x1  }
0x2: {  	[smem:$0x3F9D] =	sst lr;
	_ =	strace $0xD0000000  }
0x3: {  	_ = 	snop  }
0x4: {  	_ = 	snop  }
0x5: {  	_ = 	snop  }
0x6: {  	_ = 	snop  }
0x7: {  	_ = 	snop  }
__scs_overlays_trampoline_lowered:
0x8: {  	[smem:$0x3FAC] =	sst s0  }
0x9: {  	[smem:$0x3FAD] =	sst s1  }
0xa: {  	[smem:$0x3FAE] =	sst s2  }
0xb: {  	[smem:$0x3FAF] =	sst s3  }
0xc: {  	[smem:$0x3FB0] =	sst s4  }
0xd: {  	[smem:$0x3FB1] =	sst s5  }
0xe: {  	[smem:$0x3FB2] =	sst s6  }
0xf: {  	[smem:$0x3FB3] =	sst s7  }
0x10: {  	[smem:$0x3FB4] =	sst s8  }
0x11: {  	[smem:$0x3FB5] =	sst s9;
	s0 =	simm.s32 @!p0 $0x0  }
0x12: {  	s1 =	sld [smem:$0x3F9B];
	s0 =	simm.s32 @p0 $0x1  }
0x13: {  	[smem:$0x3FB6] =	sst s0;
	s0 =	simm.s32 @!p1 $0x0  }
0x14: {  	s2 =	sld [smem:$0x3F9A];
	s0 =	simm.s32 @p1 $0x1  }
0x15: {  	[smem:$0x3FB7] =	sst s0;
	s0 =	simm.s32 @!p2 $0x0  }
0x16: {  	s3 =	sld [smem:$0x3FDB];
	s0 =	simm.s32 @p2 $0x1  }
0x17: {  	s4 =	simm.s32 $0x1BF5;
	[smem:$0x3FB9] =	sst s0  }
0x18: {  	s0 =	sld [smem:$0x3F9C];
	_ =	swait.ge [sflag:s4], $0x0  }
0x19: {  	s7 =	sld [smem:$0x3F9D]  }
0x1a: {  	s8 =	sadd.s32 $0xFFFFE003, lr  }
0x1b: {  	s9 =	sadd.s32 $0xFFFFFEF7, lr;
	s5 =	simm.s32 $0xFFFFFFFF;
	p2 =	slt.u32 s8, $0xFFFFF086  }
0x1c: {  	p1 =	slt.u32 s9, $0xF7A;
	s5 =	simm.s32 @!p2 $0x0  }
0x1d: {  	s5 =	simm.s32 @p1 $0x1;
	p0 =	seq.s32 s7, s2  }
0x1e: {  	s7 =	smul.u32 @!p0 $0xF7A, s2;
	p2 =	seq.s32 @!p0 s5, $0x0  }
0x1f: {  	s9 =	smul.u32 $0xF7A, s1;
	s8 =	simm.s32 @!p0 $0x1BF5;
	p2 =	por !p2, p0  }
0x20: {  	[sflag:s8] =	ssyncset.s32 @!p0 $0xFFFFF086;
	s6 =	sadd.s32 @!p0 s3, s7;
	s7 =	simm.s32 @!p0 $0x108  }
0x21: {  	s3 =	sadd.s32 s3, s9;
	s6 =	sadd.s32 @!p0 $0x88, s6;
	s7 =	simm.s32 @p2 $0x1082  }
0x22: {  	[simem:s7], [sflag:s8] =	dma.local @!p0 [hbm:s6], $0xF7A  }
0x23: {  	s9 =	sor.u32 $0xD0000000, s2;
	s6 =	simm.s32 $0x108;
	_ =	swait.ge @!p0 [sflag:s8], $0x0  }
0x24: {  	s3 =	sadd.s32 $0x88, s3;
	s6 =	simm.s32 @!p1 $0x1082;
	[sflag:s4] =	ssyncset.s32 $0xFFFFF086  }
0x25: {  	[simem:s6], [sflag:s4] =	dma.local [hbm:s3], $0xF7A  }
0x26: {  	[smem:$0x3F9D] =	sst s1;
	(tag) =	ssettag s2;
	_ =	strace s9  }
0x27: {  	s1 =	sld [smem:$0x3FAD]  }
0x28: {  	s2 =	sld [smem:$0x3FAE]  }
0x29: {  	s4 =	sld [smem:$0x3FB0]  }
0x2a: {  	p0 =	seq.s32 s5, $0x0;
	s5 =	sld [smem:$0x3FB1]  }
0x2b: {  	s6 =	sld [smem:$0x3FB2]  }
0x2c: {  	s7 =	sld [smem:$0x3FB3]  }
0x2d: {  	s3 =	simm.s32 $0x108;
	s8 =	sld [smem:$0x3FB4]  }
0x2e: {  	s3 =	simm.s32 @!p0 $0x1082;
	s9 =	sld [smem:$0x3FB5]  }
0x2f: {  	lr =	sadd.s32 s0, s3;
	s0 =	sld [smem:$0x3FAC]  }
0x30: {  	s3 =	sld [smem:$0x3FAF]  }
0x31: {  	[smem:$0x3FB8] =	sst s10  }
0x32: {  	s10 =	sld [smem:$0x3FB6];
	_ =	sdelay $0x3  }
0x33: {  	p0 =	seq.s32 s10, $0x1;
	s10 =	sld [smem:$0x3FB8];
	_ =	sdelay $0x3  }
0x34: {  	[smem:$0x3FB8] =	sst s10  }
0x35: {  	s10 =	sld [smem:$0x3FB7];
	_ =	sdelay $0x3  }
0x36: {  	p1 =	seq.s32 s10, $0x1;
	s10 =	sld [smem:$0x3FB8];
	_ =	sdelay $0x3  }
0x37: {  	[smem:$0x3FB8] =	sst s10  }
0x38: {  	s10 =	sld [smem:$0x3FB9]  }
0x39: {  	_ = 	snop;
	(pc) =	sbr.ind lr, $3  }
0x3a: {  	_ = 	snop  }
0x3b: {  	_ = 	snop  }
0x3c: {  	p2 =	seq.s32 s10, $0x1;
	s10 =	sld [smem:$0x3FB8]  }
0x3d: {  	_ =	shalt  }
0x3e: {  	_ =	shalt  }
0x3f: {  	_ =	shalt  }
0x40: {  	_ =	shalt  }
0x41: {  	_ =	shalt  }
0x42: {  	_ =	shalt  }
0x43: {  	_ =	shalt  }
0x44: {  	_ =	shalt  }
0x45: {  	_ =	shalt  }
0x46: {  	_ =	shalt  }
0x47: {  	_ =	shalt  }
0x48: {  	_ =	shalt  }
0x49: {  	_ =	shalt  }
0x4a: {  	_ =	shalt  }
0x4b: {  	_ =	shalt  }
0x4c: {  	_ =	shalt  }
0x4d: {  	_ =	shalt  }
0x4e: {  	_ =	shalt  }
0x4f: {  	_ =	shalt  }
0x50: {  	_ =	shalt  }
0x51: {  	_ =	shalt  }
0x52: {  	_ =	shalt  }
0x53: {  	_ =	shalt  }
0x54: {  	_ =	shalt  }
0x55: {  	_ =	shalt  }
0x56: {  	_ =	shalt  }
0x57: {  	_ =	shalt  }
0x58: {  	_ =	shalt  }
0x59: {  	_ =	shalt  }
0x5a: {  	_ =	shalt  }
0x5b: {  	_ =	shalt  }
0x5c: {  	_ =	shalt  }
0x5d: {  	_ =	shalt  }
0x5e: {  	_ =	shalt  }
0x5f: {  	_ =	shalt  }
0x60: {  	_ =	shalt  }
0x61: {  	_ =	shalt  }
0x62: {  	_ =	shalt  }
0x63: {  	_ =	shalt  }
0x64: {  	_ =	shalt  }
0x65: {  	_ =	shalt  }
0x66: {  	_ =	shalt  }
0x67: {  	_ =	shalt  }
0x68: {  	_ =	shalt  }
0x69: {  	_ =	shalt  }
0x6a: {  	_ =	shalt  }
0x6b: {  	_ =	shalt  }
0x6c: {  	_ =	shalt  }
0x6d: {  	_ =	shalt  }
0x6e: {  	_ =	shalt  }
0x6f: {  	_ =	shalt  }
0x70: {  	_ =	shalt  }
0x71: {  	_ =	shalt  }
0x72: {  	_ =	shalt  }
0x73: {  	_ =	shalt  }
0x74: {  	_ =	shalt  }
0x75: {  	_ =	shalt  }
0x76: {  	_ =	shalt  }
0x77: {  	_ =	shalt  }
0x78: {  	_ =	shalt  }
0x79: {  	_ =	shalt  }
0x7a: {  	_ =	shalt  }
0x7b: {  	_ =	shalt  }
0x7c: {  	_ =	shalt  }
0x7d: {  	_ =	shalt  }
0x7e: {  	_ =	shalt  }
0x7f: {  	_ =	shalt  }
0x80: {  	_ =	shalt  }
0x81: {  	_ =	shalt  }
0x82: {  	_ =	shalt  }
0x83: {  	_ =	shalt  }
0x84: {  	_ =	shalt  }
0x85: {  	_ =	shalt  }
0x86: {  	_ =	shalt  }
0x87: {  	_ =	shalt  }
.Lfunc_end0:
.L_simem_size_0:
called_computation_lowered:
.L_overlay_start_0:
0x88: {  	s0 =	sld [smem:$0x3FD9]  }
0x89: {  	s1 =	sld [smem:$0x3FFE];
	_ =	sdelay $0x3  }
0x8a: {  	s0 =	sadd.s32 s1, s0  }
0x8b: {  	[smem:$0x3FC4] =	sst s0  }
0x8c: {  	_ = 	snop  }
0x8d: {  	s0 =	sld [smem:$0x3FD0];
	(tm) =	ssettm $0x1  }
0x8e: {  	s16 =	sld [smem:$0x3FFB];
	_ =	sdelay $0x3  }
0x8f: {  	_ =	strace s16  }
0x90: {  	s1 =	sld [smem:$0x3FFC];
	_ =	sdelay $0x3  }
0x91: {  	_ =	strace s1  }
0x92: {  	s1 =	sld [smem:$0x3FFD];
	_ =	sdelay $0x3  }
0x93: {  	_ =	strace s1  }
0x94: {  	_ =	strace $0x8FFFFFFF  }
0x95: {  	s17 =	sld [smem:$0x3FDB];
	_ =	sdelay $0x1  }
0x96: {  	s2 =	simm.s32 $_scs_section_size  }
0x97: {  	s3 =	simm.s32 $_size__tile_overlayer_lowered;
	s4 =	simm.s32 $_tile_overlayer_lowered  }
0x98: {  	s20 =	simm.s32 $0x1BFF;
	s19 =	sshll.u32 s4, $0x1;
	s1 =	sadd.s32 s2, s17  }
0x99: {  	s5 =	simm.s32 $0x0;
	s18 =	sshll.u32 s3, $0x1;
	s3 =	sadd.s32 s19, s1  }
0x9a: {  	[timem:s5], [sflag:s20] =	dma.local [hbm:s3], s18  }
0x9b: {  	_ =	swait.ge [sflag:s20], s18  }
0x9c: {  	s2 =	ssub.s32 $0x0, s18;
	[sflag:s20] =	ssyncset.done $0x0  }
0x9d: {  	[sflag:s20] =	ssyncadd.s32 s2;
	_ =	sdelay $0x1  }
0x9e: {  	s21 =	simm.s32 $0x1B8B  }
0x9f: {  	_ =	swait.ge [sflag:s21], $0x1  }
0xa0: {  	[sflag:s21] =	ssyncset.done $0x0  }
0xa1: {  	s23 =	simm.s32 $0x1B8E;
	s22 =	sld [smem:$0x3FFE];
	[sflag:s21] =	ssyncadd.s32 $0xFFFFFFFF  }
0xa2: {  	s24 =	simm.s32 $execute0_lowered;
	[smem:$0x3FD2] =	sst s23  }
0xa3: {  	s3 =	sshll.u32 s24, $0x1;
	_ =	strace $0x80000046;
	[dreg:$0x1] =	wrdreg $0xFFFFFFFF  }
0xa4: {  	s25 =	simm.s32 $_size_execute0_lowered;
	s1 =	sadd.s32 s1, s3;
	[dreg:$0x0] =	wrdreg $0x0  }
0xa5: {  	s3 =	sshll.u32 s25, $0x1;
	[dreg:$0x2] =	wrdreg s1  }
0xa6: {  	[dreg:$0x3] =	wrdreg s3  }
0xa7: {  	[dreg:$0x4] =	wrdreg $0xC0  }
0xa8: {  	_ =	task [dreg:s5], $0x5FFFF  }
0xa9: {  	[dreg:$0x1] =	wrdreg $0xFFFFFFFF  }
0xaa: {  	[dreg:$0x0] =	wrdreg $0x60  }
0xab: {  	[dreg:$0x2] =	wrdreg s22  }
0xac: {  	[dreg:$0x3] =	wrdreg s0  }
0xad: {  	[dreg:$0x4] =	wrdreg $0xB0000  }
0xae: {  	[dreg:$0x5] =	wrdreg $0x9  }
0xaf: {  	_ =	task.clear_ibuf [dreg:s5], $0x6FFFF;
	_ =	strace $0x90000046  }
0xb0: {  	s26 =	simm.s32 $0x9;
	_ =	strace $0x80000048  }
0xb1: {  	_ =	swait.ge [sflag:s26], $0x1  }
0xb2: {  	[sflag:s26] =	ssyncadd.s32 $0xFFFFFFFF  }
0xb3: {  	_ =	strace $0x90000048  }
0xb4: {  	_ =	sfence  }
0xb5: {  	s28 =	sld [smem:$0x0];
	_ =	sdelay $0x1  }
0xb6: {  	s29 =	srdreg.scid  }
0xb7: {  	s30 =	sshll.u32 s29, $0xD;
	s31 =	sshrl.u32 s29, $0x2  }
0xb8: {  	s2 =	sand.u32 $0x4000, s30;
	s1 =	sand.u32 $0x1, s29;
	s0 =	sadd.s32 s31, s28  }
0xb9: {  	s1 =	sor.u32 s2, s1;
	s0 =	sshll.u32 s0, $0x11  }
0xba: {  	s0 =	sor.u32 s0, s1  }
0xbb: {  	s0 =	sadd.s32 $0x8F2B, s0  }
0xbc: {  	[sflag:s0] =	ssyncadd.remote.s32 $0x1  }
0xbd: {  	_ =	sfence.sel $0xFFFF  }
0xbe: {  	[dreg:$0x0] =	wrdreg $0xFFFFFFFF;
	(pc) =	sbr.abs _section_cstart, $3  }
0xbf: {  	[dreg:$0x1] =	wrdreg $0xFFFFFFFF  }
0xc0: {  	_ =	task.clear_ibuf [dreg:s5], $0x2FFFF;
	_ =	strace $0x9FFFFFFF  }
0xc1: {  	(tm) =	ssettm $0x7FFFFFFF  }
tec
execute0_lowered:
.L_overlay_start_1:
0x0: {  	(tag) =	ssettag $0x1  }
0x1: {  	s1 =	rddreg [dreg:$0x0]  }
0x2: {  	s4 =	rddreg [dreg:$0x1]  }
0x3: {  	s2 =	rddreg [dreg:$0x2]  }
0x4: {  	s0 =	rddreg [dreg:$0x3]  }
0x5: {  	s3 =	simm.s32 $0x0;
	s7 =	simm.s32 $0x0;
	s8 =	simm.s32 $0x200  }
0x6: {  	[smem:$0x7FF] =	sst s3;
	s5 =	sadd.s32 $0x19C00, s1;
	s6 =	sadd.s32 $0xC00, s1  }
0x7: {  	v0 =	vimm.f32 $0.0e+00;
	s3 =	sadd.s32 $0x67E00, s1;
	s1 =	stileid.u32;
	_ =	strace $0x80000047  }
.LBB2_1:
0x8: {  	p0 =	sne.s32 s8, $0x9E00;
	[tilespmem:s7+$0x1070] =	vst v0  }
0x9: {  	[tilespmem:s7+$0x1000] =	vst v0  }
0xa: {  	[tilespmem:s7+$0x1010] =	vst v0  }
.Ltmp0:
0xb: {  	[tilespmem:s7+$0x1020] =	vst v0;
	(pc) =	sbr.rel @p0 .LBB2_1-.Ltmp0, $4  }
0xc: {  	[tilespmem:s7+$0x1030] =	vst v0  }
0xd: {  	[tilespmem:s7+$0x1040] =	vst v0  }
0xe: {  	[tilespmem:s7+$0x1050] =	vst v0  }
0xf: {  	[tilespmem:s7+$0x1060] =	vst v0;
	s7 =	sshra.s32 s8, $0x2;
	s8 =	sadd.s32 $0x200, s8  }
0x10: {  	[tilespmem:s7+$0x1070] =	vst v0  }
0x11: {  	[tilespmem:s7+$0x1000] =	vst v0  }
0x12: {  	[tilespmem:s7+$0x1010] =	vst v0  }
0x13: {  	[tilespmem:s7+$0x1020] =	vst v0  }
0x14: {  	[tilespmem:s7+$0x1030] =	vst v0;
	s8 =	smul.u32 $0x50000, s1  }
0x15: {  	[tilespmem:s7+$0x1040] =	vst v0  }
0x16: {  	[tilespmem:s7+$0x1050] =	vst v0;
	s8 =	sshrl.u32 s8, $0x2  }
0x17: {  	[tilespmem:s7+$0x1060] =	vst v0;
	s9 =	simm.s32 $0x3;
	s7 =	sadd.s32 s8, s2;
	s8 =	simm.s32 $0x1000  }
0x18: {  	[spmem:s7] =	stream.linear.scatter [tilespmem:s8], [sflag:$0x3], $0x2800, $0x38;
	[tilespmem:$0x1F000] =	vst v63  }
0x19: {  	_ =	swait.ge [sflag:s9], $0x2800  }
0x1a: {  	[sflag:s9] =	ssyncset.done $0x0  }
0x1b: {  	s10 =	sadd.s32 $0x2800, s7;
	[sflag:s9] =	ssyncadd.s32 $0xFFFFD800  }
0x1c: {  	[spmem:s10] =	stream.linear.scatter [tilespmem:s8], [sflag:$0x3], $0x2800, $0x38;
	[tilespmem:$0x1F000] =	vst v63  }
0x1d: {  	_ =	swait.ge [sflag:s9], $0x2800  }
0x1e: {  	[sflag:s9] =	ssyncset.done $0x0  }
0x1f: {  	s25 =	sadd.s32 $0x5000, s7;
	[sflag:s9] =	ssyncadd.s32 $0xFFFFD800  }
0x20: {  	[spmem:s25] =	stream.linear.scatter [tilespmem:s8], [sflag:$0x3], $0x2800, $0x38;
	[tilespmem:$0x1F000] =	vst v63  }
0x21: {  	_ =	swait.ge [sflag:s9], $0x2800  }
0x22: {  	[sflag:s9] =	ssyncset.done $0x0  }
0x23: {  	s26 =	sadd.s32 $0x7800, s7;
	[sflag:s9] =	ssyncadd.s32 $0xFFFFD800  }
0x24: {  	[spmem:s26] =	stream.linear.scatter [tilespmem:s8], [sflag:$0x3], $0x2800, $0x38;
	[tilespmem:$0x1F000] =	vst v63  }
0x25: {  	_ =	swait.ge [sflag:s9], $0x2800  }
0x26: {  	[sflag:s9] =	ssyncset.done $0x0  }
0x27: {  	s28 =	sadd.s32 $0xA000, s7;
	[sflag:s9] =	ssyncadd.s32 $0xFFFFD800  }
0x28: {  	[spmem:s28] =	stream.linear.scatter [tilespmem:s8], [sflag:$0x3], $0x2800, $0x38;
	[tilespmem:$0x1F000] =	vst v63  }
0x29: {  	_ =	swait.ge [sflag:s9], $0x2800  }
0x2a: {  	[sflag:s9] =	ssyncset.done $0x0  }
0x2b: {  	s29 =	sadd.s32 $0xC800, s7;
	[sflag:s9] =	ssyncadd.s32 $0xFFFFD800  }
0x2c: {  	[spmem:s29] =	stream.linear.scatter [tilespmem:s8], [sflag:$0x3], $0x2800, $0x38;
	[tilespmem:$0x1F000] =	vst v63  }
0x2d: {  	_ =	swait.ge [sflag:s9], $0x2800  }
0x2e: {  	[sflag:s9] =	ssyncset.done $0x0  }
0x2f: {  	s30 =	sadd.s32 $0xF000, s7;
	[sflag:s9] =	ssyncadd.s32 $0xFFFFD800  }
0x30: {  	[spmem:s30] =	stream.linear.scatter [tilespmem:s8], [sflag:$0x3], $0x2800, $0x38;
	[tilespmem:$0x1F000] =	vst v63  }
0x31: {  	_ =	swait.ge [sflag:s9], $0x2800  }
0x32: {  	s11 =	simm.s32 $0x0;
	[sflag:s9] =	ssyncset.done $0x0  }
0x33: {  	s12 =	simm.s32 $0x800;
	s31 =	sadd.s32 $0x11800, s7;
	[sflag:s9] =	ssyncadd.s32 $0xFFFFD800  }
0x34: {  	[spmem:s31] =	stream.linear.scatter [tilespmem:s8], [sflag:$0x3], $0x2800, $0x38;
	[tilespmem:$0x1F000] =	vst v63  }
0x35: {  	s13 =	simm.s32 $0x50;
	s14 =	simm.s32 $0x6000;
	_ =	swait.ge [sflag:s9], $0x2800  }
0x36: {  	s15 =	simm.s32 $0x1;
	s16 =	simm.s32 $0x3800;
	[sflag:s9] =	ssyncset.done $0x0  }
0x37: {  	s17 =	simm.s32 $0x8800;
	s18 =	simm.s32 $0x2;
	[sflag:s9] =	ssyncadd.s32 $0xFFFFD800  }
0x38: {  	s19 =	simm.s32 $0x0;
	s10 =	smul.u32 $0xC800, s1;
	[bflag:$0x0] =	sbarrier.arrive $0xFFFF  }
.LBB2_3:
0x39: {  	s20 =	sshll.u32 s19, $0xB  }
0x3a: {  	s20 =	sadd.s32 s10, s20  }
0x3b: {  	s20 =	sshrl.u32 s20, $0x3  }
0x3c: {  	s21 =	sadd.s32 s4, s20  }
0x3d: {  	[tilespmem:s11], [sflag:$0x3] =	stream.linear.gather [hbm4b:s21+s11], $0x500, $0x38;
	[tilespmem:$0x1F000] =	vst v63  }
0x3e: {  	_ =	swait.ge [sflag:s9], $0x500  }
0x3f: {  	[sflag:s9] =	ssyncset.done $0x0  }
0x40: {  	s20 =	sadd.s32 s6, s20;
	[sflag:s9] =	ssyncadd.s32 $0xFFFFFB00  }
0x41: {  	[tilespmem:s12], [sflag:$0x3] =	stream.linear.gather [hbm4b:s20+s11], $0x500, $0x38;
	[tilespmem:$0x1F000] =	vst v63  }
0x42: {  	_ =	swait.ge [sflag:s9], $0x500  }
0x43: {  	[sflag:s9] =	ssyncset.done $0x0  }
0x44: {  	[sflag:s9] =	ssyncadd.s32 $0xFFFFFB00  }
0x45: {  	[tilespmem:s8], [sflag:$0x1] =	stream.indirect.gather [hbm4b:s5+s13], $0x80, s12, s13, $0xb8;
	[tilespmem:$0x1F000] =	vst v63  }
0x46: {  	s20 =	simm.s32 $0x0  }
0x47: {  	[tilespmem:s14], [sflag:$0x1] =	stream.indirect.gather [hbm4b:s5+s13], $0x80, s11, s13, $0xb8;
	[tilespmem:$0x1F000] =	vst v63  }
.LBB2_4:
0x48: {  	_ =	swait.ge [sflag:s15], $0x2800  }
0x49: {  	[sflag:s15] =	ssyncset.done $0x0  }
0x4a: {  	[sflag:s15] =	ssyncadd.s32 $0xFFFFD800  }
0x4b: {  	_ =	swait.ge [sflag:s15], $0x2800  }
0x4c: {  	p0 =	seq.s32 s20, $0x0;
	[sflag:s15] =	ssyncset.done $0x0  }
0x4d: {  	s21 =	simm.s32 @!p0 $0x2;
	[sflag:s15] =	ssyncadd.s32 $0xFFFFD800  }
0x4e: {  	_ =	swait.ge @!p0 [sflag:s21], $0x2800  }
0x4f: {  	s22 =	sshll.u32 s20, $0x8;
	[sflag:s21] =	ssyncset.done @!p0 $0x0  }
0x50: {  	[sflag:s21] =	ssyncadd.s32 @!p0 $0xFFFFD800;
	s21 =	sadd.s32 $0x880, s22  }
0x51: {  	[tilespmem:s16], [sflag:$0x1] =	stream.indirect.gather [hbm4b:s5+s13], $0x80, s21, s13, $0xb8;
	[tilespmem:$0x1F000] =	vst v63  }
0x52: {  	s23 =	sor.u32 $0x80, s22  }
0x53: {  	[tilespmem:s17], [sflag:$0x1] =	stream.indirect.gather [hbm4b:s5+s13], $0x80, s23, s13, $0xb8;
	[tilespmem:$0x1F000] =	vst v63  }
0x54: {  	s23 =	simm.s32 $0x0  }
0x55: {  	v6 =	vld [tilespmem:s23+$0x1000]  }
0x56: {  	v11 =	vld [tilespmem:s23+$0x1010]  }
0x57: {  	v5 =	vld [tilespmem:s23+$0x1020]  }
0x58: {  	v4 =	vld [tilespmem:s23+$0x1030]  }
0x59: {  	v3 =	vld [tilespmem:s23+$0x1040]  }
0x5a: {  	v2 =	vld [tilespmem:s23+$0x1050]  }
0x5b: {  	v1 =	vld [tilespmem:s23+$0x1060]  }
0x5c: {  	v0 =	vld [tilespmem:s23+$0x1070]  }
0x5d: {  	v12 =	vld [tilespmem:s23+$0x6000]  }
0x5e: {  	v13 =	vld [tilespmem:s23+$0x6010]  }
0x5f: {  	v10 =	vld [tilespmem:s23+$0x6020]  }
0x60: {  	v9 =	vld [tilespmem:s23+$0x6030]  }
0x61: {  	v8 =	vld [tilespmem:s23+$0x6040]  }
0x62: {  	v7 =	vld [tilespmem:s23+$0x6050];
	v12 =	vadd.f32 v12, v6  }
0x63: {  	s24 =	simm.s32 $0x200;
	v11 =	vadd.f32 v13, v11;
	v6 =	vld [tilespmem:s23+$0x6060]  }
.LBB2_5:
0x64: {  	s25 =	sshra.s32 s24, $0x2;
	p0 =	sne.s32 s24, $0x9E00;
	v12 =	vmax.f32 v12, $0.0e+00;
	v5 =	vadd.f32 v10, v5;
	v10 =	vld [tilespmem:s23+$0x6070]  }
0x65: {  	v13 =	vld [tilespmem:s25+$0x1000];
	[tilespmem:s23+$0x6000] =	vst v12;
	v11 =	vmax.f32 v11, $0.0e+00;
	v4 =	vadd.f32 v9, v4  }
0x66: {  	v14 =	vld [tilespmem:s25+$0x1010];
	[tilespmem:s23+$0x6010] =	vst v11;
	v9 =	vmax.f32 v5, $0.0e+00;
	v3 =	vadd.f32 v8, v3  }
0x67: {  	v5 =	vld [tilespmem:s25+$0x1020];
	[tilespmem:s23+$0x6020] =	vst v9;
	v8 =	vmax.f32 v4, $0.0e+00;
	v2 =	vadd.f32 v7, v2  }
0x68: {  	v4 =	vld [tilespmem:s25+$0x1030];
	[tilespmem:s23+$0x6030] =	vst v8;
	v7 =	vmax.f32 v3, $0.0e+00;
	v1 =	vadd.f32 v6, v1  }
0x69: {  	v3 =	vld [tilespmem:s25+$0x1040];
	[tilespmem:s23+$0x6040] =	vst v7;
	v6 =	vmax.f32 v2, $0.0e+00;
	v0 =	vadd.f32 v10, v0  }
0x6a: {  	v2 =	vld [tilespmem:s25+$0x1050];
	[tilespmem:s23+$0x6050] =	vst v6;
	v6 =	vmax.f32 v1, $0.0e+00  }
0x6b: {  	v1 =	vld [tilespmem:s25+$0x1060];
	[tilespmem:s23+$0x6060] =	vst v6;
	v6 =	vmax.f32 v0, $0.0e+00  }
0x6c: {  	v0 =	vld [tilespmem:s25+$0x1070];
	[tilespmem:s23+$0x6070] =	vst v6;
	s23 =	smov.u32 s25  }
0x6d: {  	v6 =	vld [tilespmem:s23+$0x6000]  }
0x6e: {  	v11 =	vld [tilespmem:s23+$0x6010]  }
.Ltmp1:
0x6f: {  	v10 =	vld [tilespmem:s23+$0x6020];
	(pc) =	sbr.rel @p0 .LBB2_5-.Ltmp1, $4  }
0x70: {  	v9 =	vld [tilespmem:s23+$0x6030]  }
0x71: {  	v8 =	vld [tilespmem:s23+$0x6040]  }
0x72: {  	v12 =	vadd.f32 v6, v13;
	v7 =	vld [tilespmem:s23+$0x6050]  }
0x73: {  	s24 =	sadd.s32 $0x200, s24;
	v11 =	vadd.f32 v11, v14;
	v6 =	vld [tilespmem:s23+$0x6060]  }
0x74: {  	v12 =	vmax.f32 v12, $0.0e+00;
	v5 =	vadd.f32 v10, v5;
	v10 =	vld [tilespmem:s23+$0x6070]  }
0x75: {  	[tilespmem:s23+$0x6000] =	vst v12;
	v11 =	vmax.f32 v11, $0.0e+00;
	v4 =	vadd.f32 v9, v4  }
0x76: {  	[tilespmem:s23+$0x6010] =	vst v11;
	v5 =	vmax.f32 v5, $0.0e+00;
	v3 =	vadd.f32 v8, v3  }
0x77: {  	[tilespmem:s23+$0x6020] =	vst v5;
	v4 =	vmax.f32 v4, $0.0e+00;
	v2 =	vadd.f32 v7, v2  }
0x78: {  	[tilespmem:s23+$0x6030] =	vst v4;
	v3 =	vmax.f32 v3, $0.0e+00;
	v1 =	vadd.f32 v6, v1  }
0x79: {  	[tilespmem:s23+$0x6040] =	vst v3;
	v2 =	vmax.f32 v2, $0.0e+00;
	v0 =	vadd.f32 v10, v0  }
0x7a: {  	[tilespmem:s23+$0x6050] =	vst v2;
	v1 =	vmax.f32 v1, $0.0e+00  }
0x7b: {  	s24 =	sand.u32 $0x3FFFFF00, s22;
	[tilespmem:s23+$0x6060] =	vst v1;
	v0 =	vmax.f32 v0, $0.0e+00  }
0x7c: {  	s31 =	sadd.s32 $0x800, s24;
	[tilespmem:s23+$0x6070] =	vst v0  }
0x7d: {  	[spmem:s2] =	stream.indirect.scatter.add.f32 [tilespmem:s14], [sflag:$0x2], $0x80, s31, s13, $0xb8;
	[tilespmem:$0x1F000] =	vst v63  }
0x7e: {  	_ =	swait.ge [sflag:s15], $0x2800  }
0x7f: {  	[sflag:s15] =	ssyncset.done $0x0  }
0x80: {  	[sflag:s15] =	ssyncadd.s32 $0xFFFFD800  }
0x81: {  	_ =	swait.ge [sflag:s15], $0x2800  }
0x82: {  	[sflag:s15] =	ssyncset.done $0x0  }
0x83: {  	[sflag:s15] =	ssyncadd.s32 $0xFFFFD800  }
0x84: {  	p0 =	seq.s32 s20, $0x4;
	_ =	swait.ge [sflag:s18], $0x2800  }
0x85: {  	s24 =	simm.s32 @!p0 $0x50;
	[sflag:s18] =	ssyncset.done $0x0  }
0x86: {  	s25 =	simm.s32 @!p0 $0x1000;
	s23 =	sadd.s32 @!p0 $0x900, s22;
	[sflag:s18] =	ssyncadd.s32 $0xFFFFD800  }
0x87: {  	[tilespmem:s25], [sflag:$0x1] =	stream.indirect.gather @!p0 [hbm4b:s5+s24], $0x80, s23, s24, $0xb8;
	[tilespmem:$0x1F000] =	vst v63  }
0x88: {  	s22 =	sadd.s32 @!p0 $0x100, s22;
	s23 =	simm.s32 @!p0 $0x6000  }
0x89: {  	[tilespmem:s23], [sflag:$0x1] =	stream.indirect.gather @!p0 [hbm4b:s5+s24], $0x80, s22, s24, $0xb8;
	[tilespmem:$0x1F000] =	vst v63  }
0x8a: {  	s22 =	simm.s32 $0x0  }
0x8b: {  	v6 =	vld [tilespmem:s22+$0x3800]  }
0x8c: {  	v11 =	vld [tilespmem:s22+$0x3810]  }
0x8d: {  	v5 =	vld [tilespmem:s22+$0x3820]  }
0x8e: {  	v4 =	vld [tilespmem:s22+$0x3830]  }
0x8f: {  	v3 =	vld [tilespmem:s22+$0x3840]  }
0x90: {  	v2 =	vld [tilespmem:s22+$0x3850]  }
0x91: {  	v1 =	vld [tilespmem:s22+$0x3860]  }
0x92: {  	v0 =	vld [tilespmem:s22+$0x3870]  }
0x93: {  	v12 =	vld [tilespmem:s22+$0x8800]  }
0x94: {  	v13 =	vld [tilespmem:s22+$0x8810]  }
0x95: {  	v10 =	vld [tilespmem:s22+$0x8820]  }
0x96: {  	v9 =	vld [tilespmem:s22+$0x8830]  }
0x97: {  	v8 =	vld [tilespmem:s22+$0x8840]  }
0x98: {  	v7 =	vld [tilespmem:s22+$0x8850];
	v12 =	vadd.f32 v12, v6  }
0x99: {  	s23 =	simm.s32 $0x200;
	v11 =	vadd.f32 v13, v11;
	v6 =	vld [tilespmem:s22+$0x8860]  }
.LBB2_7:
0x9a: {  	s24 =	sshra.s32 s23, $0x2;
	p0 =	sne.s32 s23, $0x9E00;
	v12 =	vmax.f32 v12, $0.0e+00;
	v5 =	vadd.f32 v10, v5;
	v10 =	vld [tilespmem:s22+$0x8870]  }
0x9b: {  	v13 =	vld [tilespmem:s24+$0x3800];
	[tilespmem:s22+$0x8800] =	vst v12;
	v11 =	vmax.f32 v11, $0.0e+00;
	v4 =	vadd.f32 v9, v4  }
0x9c: {  	v14 =	vld [tilespmem:s24+$0x3810];
	[tilespmem:s22+$0x8810] =	vst v11;
	v9 =	vmax.f32 v5, $0.0e+00;
	v3 =	vadd.f32 v8, v3  }
0x9d: {  	v5 =	vld [tilespmem:s24+$0x3820];
	[tilespmem:s22+$0x8820] =	vst v9;
	v8 =	vmax.f32 v4, $0.0e+00;
	v2 =	vadd.f32 v7, v2  }
0x9e: {  	v4 =	vld [tilespmem:s24+$0x3830];
	[tilespmem:s22+$0x8830] =	vst v8;
	v7 =	vmax.f32 v3, $0.0e+00;
	v1 =	vadd.f32 v6, v1  }
0x9f: {  	v3 =	vld [tilespmem:s24+$0x3840];
	[tilespmem:s22+$0x8840] =	vst v7;
	v6 =	vmax.f32 v2, $0.0e+00;
	v0 =	vadd.f32 v10, v0  }
0xa0: {  	v2 =	vld [tilespmem:s24+$0x3850];
	[tilespmem:s22+$0x8850] =	vst v6;
	v6 =	vmax.f32 v1, $0.0e+00  }
0xa1: {  	v1 =	vld [tilespmem:s24+$0x3860];
	[tilespmem:s22+$0x8860] =	vst v6;
	v6 =	vmax.f32 v0, $0.0e+00  }
0xa2: {  	v0 =	vld [tilespmem:s24+$0x3870];
	[tilespmem:s22+$0x8870] =	vst v6;
	s22 =	smov.u32 s24  }
0xa3: {  	v6 =	vld [tilespmem:s22+$0x8800]  }
0xa4: {  	v11 =	vld [tilespmem:s22+$0x8810]  }
.Ltmp2:
0xa5: {  	v10 =	vld [tilespmem:s22+$0x8820];
	(pc) =	sbr.rel @p0 .LBB2_7-.Ltmp2, $4  }
0xa6: {  	v9 =	vld [tilespmem:s22+$0x8830]  }
0xa7: {  	v8 =	vld [tilespmem:s22+$0x8840]  }
0xa8: {  	v12 =	vadd.f32 v6, v13;
	v7 =	vld [tilespmem:s22+$0x8850]  }
0xa9: {  	s23 =	sadd.s32 $0x200, s23;
	v11 =	vadd.f32 v11, v14;
	v6 =	vld [tilespmem:s22+$0x8860]  }
0xaa: {  	v12 =	vmax.f32 v12, $0.0e+00;
	v5 =	vadd.f32 v10, v5;
	v63 =	vld [tilespmem:s22+$0x8870]  }
0xab: {  	[tilespmem:s22+$0x8800] =	vst v12;
	v11 =	vmax.f32 v11, $0.0e+00;
	v4 =	vadd.f32 v9, v4  }
0xac: {  	[tilespmem:s22+$0x8810] =	vst v11;
	v5 =	vmax.f32 v5, $0.0e+00;
	v3 =	vadd.f32 v8, v3  }
0xad: {  	s20 =	sadd.s32 $0x1, s20;
	[tilespmem:s22+$0x8820] =	vst v5;
	v4 =	vmax.f32 v4, $0.0e+00;
	v2 =	vadd.f32 v7, v2  }
0xae: {  	p0 =	sne.s32 s20, $0x5;
	[tilespmem:s22+$0x8830] =	vst v4;
	v3 =	vmax.f32 v3, $0.0e+00;
	v1 =	vadd.f32 v6, v1  }
.Ltmp3:
0xaf: {  	[tilespmem:s22+$0x8840] =	vst v3;
	v2 =	vmax.f32 v2, $0.0e+00;
	v0 =	vadd.f32 v63, v0;
	(pc) =	sbr.rel @p0 .LBB2_4-.Ltmp3, $4  }
0xb0: {  	[tilespmem:s22+$0x8850] =	vst v2;
	v1 =	vmax.f32 v1, $0.0e+00  }
0xb1: {  	[tilespmem:s22+$0x8860] =	vst v1;
	v0 =	vmax.f32 v0, $0.0e+00  }
0xb2: {  	[tilespmem:s22+$0x8870] =	vst v0  }
0xb3: {  	[spmem:s2] =	stream.indirect.scatter.add.f32 [tilespmem:s17], [sflag:$0x2], $0x80, s21, s13, $0xb8;
	[tilespmem:$0x1F000] =	vst v63  }
0xb4: {  	s19 =	sadd.s32 $0x1, s19  }
0xb5: {  	p0 =	sne.s32 s19, $0x19  }
.Ltmp4:
0xb6: {  	_ = 	snop;
	(pc) =	sbr.rel @p0 .LBB2_3-.Ltmp4, $4  }
0xb7: {  	_ = 	snop  }
0xb8: {  	_ =	swait.ge [sflag:s18], $0x2800  }
0xb9: {  	[sflag:s18] =	ssyncset.done $0x0  }
0xba: {  	[sflag:s18] =	ssyncadd.s32 $0xFFFFD800  }
0xbb: {  	s4 =	smul.u32 $0x2800, s1  }
0xbc: {  	s5 =	smul.u32 $0x280, s1;
	s6 =	sshll.u32 s1, $0x6  }
0xbd: {  	[bflag:$0x0] =	sbarrier.arrive $0xFFFF;
	s7 =	sshrl.u32 s7, $0x3;
	s21 =	simm.s32 $0x3  }
0xbe: {  	s6 =	sor.u32 $0x1C03, s6;
	s4 =	sadd.s32 s3, s4;
	s20 =	sadd.s32 $0x80, s5  }
0xbf: {  	[hbm:s4], [sflag:s6] =	dma.local [spmem:s7], $0x800  }
0xc0: {  	s9 =	sadd.s32 $0x100, s5;
	s8 =	sshll.u32 s20, $0x7;
	_ =	swait.ge [sflag:s21], $0x800  }
0xc1: {  	s4 =	sshll.u32 s20, $0x4;
	s8 =	sadd.s32 s8, s2;
	[sflag:s21] =	ssyncset.done $0x0  }
0xc2: {  	s4 =	sadd.s32 s3, s4;
	s8 =	sshrl.u32 s8, $0x3;
	[sflag:s21] =	ssyncadd.s32 $0xFFFFF800  }
0xc3: {  	[hbm:s4], [sflag:s6] =	dma.local [spmem:s8], $0x800  }
0xc4: {  	s24 =	sadd.s32 $0x180, s5;
	s22 =	sshll.u32 s9, $0x7;
	_ =	swait.ge [sflag:s21], $0x800  }
0xc5: {  	s23 =	sshll.u32 s9, $0x4;
	s4 =	sadd.s32 s22, s2;
	[sflag:s21] =	ssyncset.done $0x0  }
0xc6: {  	s8 =	sadd.s32 s3, s23;
	s4 =	sshrl.u32 s4, $0x3;
	[sflag:s21] =	ssyncadd.s32 $0xFFFFF800  }
0xc7: {  	[hbm:s8], [sflag:s6] =	dma.local [spmem:s4], $0x800  }
0xc8: {  	s5 =	sadd.s32 $0x200, s5;
	s25 =	sshll.u32 s24, $0x7;
	_ =	swait.ge [sflag:s21], $0x800  }
0xc9: {  	s26 =	sshll.u32 s24, $0x4;
	s4 =	sadd.s32 s25, s2;
	[sflag:s21] =	ssyncset.done $0x0  }
0xca: {  	s8 =	sadd.s32 s3, s26;
	s4 =	sshrl.u32 s4, $0x3;
	[sflag:s21] =	ssyncadd.s32 $0xFFFFF800  }
0xcb: {  	[hbm:s8], [sflag:s6] =	dma.local [spmem:s4], $0x800  }
0xcc: {  	s28 =	sshll.u32 s5, $0x7;
	_ =	swait.ge [sflag:s21], $0x800  }
0xcd: {  	s30 =	sshll.u32 s5, $0x4;
	s29 =	sadd.s32 s28, s2;
	[sflag:s21] =	ssyncset.done $0x0  }
0xce: {  	s31 =	sadd.s32 s3, s30;
	s2 =	sshrl.u32 s29, $0x3;
	[sflag:s21] =	ssyncadd.s32 $0xFFFFF800  }
0xcf: {  	[hbm:s31], [sflag:s6] =	dma.local [spmem:s2], $0x800  }
0xd0: {  	_ =	swait.ge [sflag:s21], $0x800  }
0xd1: {  	[sflag:s21] =	ssyncset.done $0x0  }
0xd2: {  	[sflag:s21] =	ssyncadd.s32 $0xFFFFF800  }
0xd3: {  	_ =	sfence.sel $0x180000  }
0xd4: {  	[bflag:$0x0] =	sbarrier.arrive $0xFFFF  }
0xd5: {  	p0 =	sne.s32 s1, $0x0;
	_ =	strace $0x90000047  }
0xd6: {  	s0 =	sadd.s32 @!p0 $0x100000, s0;
	[bflag:$0x2] =	sbarrier.arrive $0xFFFF  }
0xd7: {  	[sflag:s0] =	ssyncadd.tile.s32 @!p0 $0x1;
	_ =	shalt  }
.Lfunc_end2:
_tile_overlayer_lowered:
.L_overlay_start_2:
0xd8: {  	(tag) =	ssettag $0x2  }
0xd9: {  	s0 =	rddreg [dreg:$0x0];
	s2 =	stileid.u32  }
0xda: {  	s1 =	rddreg [dreg:$0x1];
	p0 =	sne.s32 s2, $0x0  }
0xdb: {  	s3 =	rddreg [dreg:$0x2];
	[bflag:$0x3] =	sbarrier.arrive $0xFFFF;
	s2 =	simm.s32 @!p0 $0x1C03  }
0xdc: {  	[timem:s3], [sflag:s2] =	dma.local @!p0 [hbm:s0], s1  }
0xdd: {  	s0 =	simm.s32 @!p0 $0x3  }
0xde: {  	_ =	swait.ge @!p0 [sflag:s0], s1  }
0xdf: {  	s1 =	ssub.s32 @!p0 $0x0, s1;
	[sflag:s0] =	ssyncset.done @!p0 $0x0  }
0xe0: {  	[sflag:s0] =	ssyncadd.s32 @!p0 s1  }
0xe1: {  	[bflag:$0x3] =	sbarrier.arrive $0xFFFF  }
0xe2: {  	_ =	shalt  }

</sc_bundles>
